<compile_context>
chip_gen: v7x
topology: tpu7x:2x2x1
jax: 0.10.2.dev20260603
libtpu: 0.0.44.dev20260713+nightly
codegen_flags: <defaults>
</compile_context>

<pallas_src>
import functools

import jax
import jax.numpy as jnp
from jax import lax
from jax.experimental import pallas as pl
from jax.experimental.pallas import tpu as pltpu
from jax.experimental.pallas import tpu_sc as plsc

_LANES = 16


_GCHUNK = 128


def _build_lookup(B, F, V, D, n_workers):
    rows_per_w = (B // n_workers) * F
    out_per_w = (B // n_workers) * D
    n_chunks = out_per_w // _LANES
    g_chunks = rows_per_w // _GCHUNK
    mesh = plsc.VectorSubcoreMesh(core_axis_name="c", subcore_axis_name="s")
    num_cores = plsc.get_sparse_core_info().num_cores

    @functools.partial(
        pl.kernel,
        mesh=mesh,
        compiler_params=pltpu.CompilerParams(
            use_tc_tiling_on_sc=False, needs_layout_passes=False),
        out_type=jax.ShapeDtypeStruct((B * D,), jnp.float32),
        scratch_types=[
            pltpu.VMEM((g_chunks, _GCHUNK), jnp.int32),
            pltpu.VMEM((rows_per_w, D), jnp.float32),
            pltpu.VMEM((out_per_w,), jnp.float32),
            pltpu.VMEM((D * _LANES,), jnp.float32),
            pltpu.SemaphoreType.DMA,
        ],
    )
    def lookup(idx_hbm, table_hbm, bias_hbm, out_hbm,
               idx_v, rows_v, out_v, bias_v, sem):
        wid = lax.axis_index("s") * num_cores + lax.axis_index("c")
        pltpu.sync_copy(bias_hbm, bias_v)
        pltpu.sync_copy(idx_hbm.at[pl.ds(wid * g_chunks, g_chunks)], idx_v)

        def fire(j, c):
            pltpu.async_copy(table_hbm.at[idx_v.at[j]],
                             rows_v.at[pl.ds(j * _GCHUNK, _GCHUNK)], sem).wait()
            return c

        lax.fori_loop(0, g_chunks, fire, 0)

        lane = lax.iota(jnp.int32, _LANES)
        step = jnp.full((_LANES,), _LANES, jnp.int32)
        dvec = jnp.full((_LANES,), D, jnp.int32)
        fvec = jnp.full((_LANES,), F, jnp.int32)

        def chunk_body(i, flat):
            b_local = lax.div(flat, dvec)
            d = flat - b_local * dvec
            row0 = b_local * fvec
            acc = bias_v[pl.ds((i % D) * _LANES, _LANES)]
            for f in range(F):
                acc = acc + plsc.load_gather(rows_v, [row0 + f, d])
            out_v[pl.ds(i * _LANES, _LANES)] = acc
            return flat + step

        lax.fori_loop(0, n_chunks, chunk_body, lane)
        pltpu.sync_copy(out_v, out_hbm.at[pl.ds(wid * out_per_w, out_per_w)])

    return lookup


def kernel(x, table, bias):
    B, F = x.shape
    V, D = table.shape
    info = plsc.get_sparse_core_info()
    n_workers = info.num_cores * info.num_subcores

    idx_flat = x.reshape(-1).astype(jnp.int32).reshape(-1, _GCHUNK)
    phase = (jnp.arange(D * _LANES, dtype=jnp.int32)) % D
    bias_t = bias[phase]

    out_flat = _build_lookup(B, F, V, D, n_workers)(idx_flat, table, bias_t)
    return out_flat.reshape(B, D)

# --- scband reference (transcript-rebuilt; emitter-appended) ---
"""Pipeline reference for scband-features-linear-39324720562870 (READ-ONLY COPY).

The authoritative reference and input builder live on the scoring server;
editing this copy changes nothing except your own understanding.
"""

import jax, jax.numpy as jnp
import numpy as np

NUM_ROWS = 26 * 100000
OUT_DIM = 3
BATCH = 16384
FIELDS = 26

def setup_inputs(seed: int = 0) -> dict:
    key = jax.random.key(seed)
    k1, k2 = jax.random.split(key)
    x = jax.random.randint(k1, (BATCH, FIELDS), 0, NUM_ROWS, dtype=jnp.int64 if jax.config.read('jax_enable_x64') else jnp.int32)
    table = jax.random.normal(k2, (NUM_ROWS, OUT_DIM), dtype=jnp.float32) * 0.01
    bias = jnp.zeros((OUT_DIM,), dtype=jnp.float32)
    return {"x": x, "table": table, "bias": bias}

def reference(x, table, bias):
    # Faithful to FeaturesLinear.forward: note the original forward does NOT
    # apply self.offsets; it embeds x directly, sums over the field dim, adds bias.
    emb = jnp.take(table, x, axis=0)          # (B, F, out_dim) gather
    out = jnp.sum(emb, axis=1) + bias          # (B, out_dim)
    return out

if __name__ == "__main__":
    import jax
    _d = setup_inputs()
    print(jax.jit(kernel)(*tuple(_d.values())))

</pallas_src>

<mosaic_0001>
#map = affine_map<(d0, d1) -> (0, 0)>
#map1 = affine_map<(d0, d1) -> (0)>
module attributes {stable_mosaic.version = 14 : i64} {
  func.func @lookup(%arg0: i32, %arg1: i32, %arg2: memref<3328x128xi32, #tpu.memory_space<hbm>>, %arg3: memref<2600000x3xf32, #tpu.memory_space<hbm>>, %arg4: memref<48xf32, #tpu.memory_space<hbm>>, %arg5: memref<49152xf32, #tpu.memory_space<hbm>>, %arg6: memref<104x128xi32, #tpu.memory_space<vmem>>, %arg7: memref<13312x3xf32, #tpu.memory_space<vmem>>, %arg8: memref<1536xf32, #tpu.memory_space<vmem>>, %arg9: memref<48xf32, #tpu.memory_space<vmem>>, %arg10: memref<!tpu.dma_semaphore, #tpu.memory_space<semaphore_mem>>) attributes {dimension_semantics = [#tpu.dimension_semantics<core_parallel>, #tpu.dimension_semantics<subcore_parallel>], iteration_bounds = array<i64: 2, 16>, scalar_prefetch = 0 : i64, scratch_operands = 5 : i64, tpu.core_type = #tpu.core_type<sc_vector_subcore>, window_params = [{transform_indices = #map}, {transform_indices = #map}, {transform_indices = #map1}, {transform_indices = #map1}]} {
    %mul3A = arith.constant 2 : i32
    %mul3A_0 = arith.muli %arg1, %mul3A : i32
    %add3A = arith.addi %mul3A_0, %arg0 : i32
    "tpu.region"() ({
      %run_scoped3A = tpu.sem_alloc : memref<!tpu.dma_semaphore, #tpu.memory_space<semaphore_mem>>
      tpu.enqueue_dma source(%arg4 : memref<48xf32, #tpu.memory_space<hbm>>) target(%arg9 : memref<48xf32, #tpu.memory_space<vmem>>) target_semaphore(%run_scoped3A : memref<!tpu.dma_semaphore, #tpu.memory_space<semaphore_mem>>)
      tpu.wait_dma2 semaphore(%run_scoped3A : memref<!tpu.dma_semaphore, #tpu.memory_space<semaphore_mem>>) src(%arg4 : memref<48xf32, #tpu.memory_space<hbm>>) dst(%arg9 : memref<48xf32, #tpu.memory_space<vmem>>)
      tpu.yield
    }) : () -> ()
    %mul3A_1 = arith.constant 104 : i32
    %mul3A_2 = arith.muli %add3A, %mul3A_1 : i32
    "tpu.region"() ({
      %run_scoped3A = tpu.sem_alloc : memref<!tpu.dma_semaphore, #tpu.memory_space<semaphore_mem>>
      %dma_start3A = arith.constant 0 : i32
      %dma_start3A_21 = tpu.memref_slice %arg2[%mul3A_2, %dma_start3A] : memref<3328x128xi32, #tpu.memory_space<hbm>> -> memref<104x128xi32, #tpu.memory_space<hbm>>
      %dma_start3A_22 = arith.constant 0 : i32
      %dma_start3A_23 = tpu.memref_slice %arg2[%mul3A_2, %dma_start3A_22] : memref<3328x128xi32, #tpu.memory_space<hbm>> -> memref<104x128xi32, #tpu.memory_space<hbm>>
      tpu.enqueue_dma source(%dma_start3A_23 : memref<104x128xi32, #tpu.memory_space<hbm>>) target(%arg6 : memref<104x128xi32, #tpu.memory_space<vmem>>) target_semaphore(%run_scoped3A : memref<!tpu.dma_semaphore, #tpu.memory_space<semaphore_mem>>)
      %dma_wait3A = arith.constant 0 : i32
      %dma_wait3A_24 = tpu.memref_slice %arg2[%mul3A_2, %dma_wait3A] : memref<3328x128xi32, #tpu.memory_space<hbm>> -> memref<104x128xi32, #tpu.memory_space<hbm>>
      %dma_wait3A_25 = arith.constant 0 : i32
      %dma_wait3A_26 = tpu.memref_slice %arg2[%mul3A_2, %dma_wait3A_25] : memref<3328x128xi32, #tpu.memory_space<hbm>> -> memref<104x128xi32, #tpu.memory_space<hbm>>
      tpu.wait_dma2 semaphore(%run_scoped3A : memref<!tpu.dma_semaphore, #tpu.memory_space<semaphore_mem>>) src(%dma_wait3A_26 : memref<104x128xi32, #tpu.memory_space<hbm>>) dst(%arg6 : memref<104x128xi32, #tpu.memory_space<vmem>>)
      tpu.yield
    }) : () -> ()
    %scan3A = arith.constant 0 : i32
    %scan3A_3 = arith.constant 0 : i32
    %scan3A_4 = arith.constant 104 : i32
    %scan3A_5 = arith.addi %scan3A_3, %scan3A_4 : i32
    %scan3A_6 = arith.constant 1 : i32
    scf.for %scan3A_21 = %scan3A_3 to %scan3A_5 step %scan3A_6  : i32 {
      %mul3A_22 = arith.constant 128 : i32
      %mul3A_23 = arith.muli %scan3A_21, %mul3A_22 : i32
      %dma_start3A = arith.constant 0 : i32
      %dma_start3A_24 = tpu.memref_slice %arg7[%mul3A_23, %dma_start3A] : memref<13312x3xf32, #tpu.memory_space<vmem>> -> memref<128x3xf32, #tpu.memory_space<vmem>>
      %dma_start3A_25 = arith.constant 0 : i32
      %dma_start3A_26 = tpu.memref_slice %arg6[%scan3A_21, %dma_start3A_25] : memref<104x128xi32, #tpu.memory_space<vmem>> -> memref<1x128xi32, #tpu.memory_space<vmem>>
      %dma_start3A_27 = tpu.memref_squeeze %dma_start3A_26 : memref<1x128xi32, #tpu.memory_space<vmem>> -> memref<128xi32, #tpu.memory_space<vmem>>
      %dma_start3A_28 = arith.constant 0 : i32
      %dma_start3A_29 = arith.constant 0 : i32
      %dma_start3A_30 = tpu.memref_slice %arg3[%dma_start3A_28, %dma_start3A_29] : memref<2600000x3xf32, #tpu.memory_space<hbm>> -> memref<2600000x3xf32, #tpu.memory_space<hbm>>
      tpu.enqueue_indirect_dma source(%dma_start3A_30 : memref<2600000x3xf32, #tpu.memory_space<hbm>>) target(%dma_start3A_24 : memref<128x3xf32, #tpu.memory_space<vmem>>) offsets(%dma_start3A_27 : memref<128xi32, #tpu.memory_space<vmem>>) semaphore(%arg10 : memref<!tpu.dma_semaphore, #tpu.memory_space<semaphore_mem>>)
      %dma_wait3A = arith.constant 0 : i32
      %dma_wait3A_31 = tpu.memref_slice %arg7[%mul3A_23, %dma_wait3A] : memref<13312x3xf32, #tpu.memory_space<vmem>> -> memref<128x3xf32, #tpu.memory_space<vmem>>
      %dma_wait3A_32 = arith.constant 0 : i32
      %dma_wait3A_33 = tpu.memref_slice %arg6[%scan3A_21, %dma_wait3A_32] : memref<104x128xi32, #tpu.memory_space<vmem>> -> memref<1x128xi32, #tpu.memory_space<vmem>>
      %dma_wait3A_34 = tpu.memref_squeeze %dma_wait3A_33 : memref<1x128xi32, #tpu.memory_space<vmem>> -> memref<128xi32, #tpu.memory_space<vmem>>
      %dma_wait3A_35 = arith.constant 0 : i32
      %dma_wait3A_36 = arith.constant 0 : i32
      %dma_wait3A_37 = tpu.memref_slice %arg3[%dma_wait3A_35, %dma_wait3A_36] : memref<2600000x3xf32, #tpu.memory_space<hbm>> -> memref<2600000x3xf32, #tpu.memory_space<hbm>>
      tpu.wait_indirect_dma semaphore(%arg10 : memref<!tpu.dma_semaphore, #tpu.memory_space<semaphore_mem>>) src(%dma_wait3A_37 : memref<2600000x3xf32, #tpu.memory_space<hbm>>) dst(%dma_wait3A_31 : memref<128x3xf32, #tpu.memory_space<vmem>>)
    }
    %scan3A_7 = arith.constant 104 : i32
    %iota3A = tpu.iota {dimensions = array<i32: 0>} : vector<16xi32>
    %broadcast_in_dim3A = arith.constant 16 : i32
    %broadcast_in_dim3A_8 = vector.broadcast %broadcast_in_dim3A : i32 to vector<16xi32>
    %broadcast_in_dim3A_9 = arith.constant 3 : i32
    %broadcast_in_dim3A_10 = vector.broadcast %broadcast_in_dim3A_9 : i32 to vector<16xi32>
    %broadcast_in_dim3A_11 = arith.constant 26 : i32
    %broadcast_in_dim3A_12 = vector.broadcast %broadcast_in_dim3A_11 : i32 to vector<16xi32>
    %scan3A_13 = arith.constant 0 : i32
    %scan3A_14 = arith.constant 96 : i32
    %scan3A_15 = arith.addi %scan3A_13, %scan3A_14 : i32
    %scan3A_16 = arith.constant 1 : i32
    %scan3A_17 = scf.for %scan3A_21 = %scan3A_13 to %scan3A_15 step %scan3A_16 iter_args(%scan3A_22 = %iota3A) -> (vector<16xi32>)  : i32 {
      %div3A = arith.divsi %scan3A_22, %broadcast_in_dim3A_10 : vector<16xi32>
      %mul3A_23 = arith.muli %div3A, %broadcast_in_dim3A_10 : vector<16xi32>
      %sub3A = arith.subi %scan3A_22, %mul3A_23 : vector<16xi32>
      %mul3A_24 = arith.muli %div3A, %broadcast_in_dim3A_12 : vector<16xi32>
      %jit3A = arith.constant 3 : i32
      %eq3A = arith.constant 0 : i32
      %eq3A_25 = arith.cmpi eq, %jit3A, %eq3A : i32
      %jit3A_26 = arith.constant 1 : i32
      %select_n3A = arith.select %eq3A_25, %jit3A_26, %jit3A : i32
      %rem3A = arith.remsi %scan3A_21, %select_n3A : i32
      %ne3A = arith.constant 0 : i32
      %ne3A_27 = arith.cmpi ne, %rem3A, %ne3A : i32
      %lt3A = arith.constant 0 : i32
      %lt3A_28 = arith.cmpi slt, %rem3A, %lt3A : i32
      %lt3A_29 = arith.constant 0 : i32
      %lt3A_30 = arith.cmpi slt, %select_n3A, %lt3A_29 : i32
      %ne3A_31 = arith.xori %lt3A_28, %lt3A_30 : i1
      %and3A = arith.andi %ne3A_31, %ne3A_27 : i1
      %add3A_32 = arith.addi %rem3A, %select_n3A : i32
      %select_n3A_33 = arith.select %and3A, %add3A_32, %rem3A : i32
      %mul3A_34 = arith.constant 16 : i32
      %mul3A_35 = arith.muli %select_n3A_33, %mul3A_34 : i32
      %get3A = arith.index_cast %mul3A_35 : i32 to index
      %get3A_36 = tpu.vector_load %arg9[%get3A] {strides = array<i32>} : memref<48xf32, #tpu.memory_space<vmem>>, vector<16xf32>,
      %add3A_37 = arith.constant 0 : i32
      %add3A_38 = vector.broadcast %add3A_37 : i32 to vector<16xi32>
      %add3A_39 = arith.addi %mul3A_24, %add3A_38 : vector<16xi32>
      %gather3A = tpu.vector_load_idx %arg7[%add3A_39, %sub3A] : memref<13312x3xf32, #tpu.memory_space<vmem>>[vector<16xi32>, vector<16xi32>], vector<16xf32>,
      %add3A_40 = arith.addf %get3A_36, %gather3A : vector<16xf32>
      %add3A_41 = arith.constant 1 : i32
      %add3A_42 = vector.broadcast %add3A_41 : i32 to vector<16xi32>
      %add3A_43 = arith.addi %mul3A_24, %add3A_42 : vector<16xi32>
      %gather3A_44 = tpu.vector_load_idx %arg7[%add3A_43, %sub3A] : memref<13312x3xf32, #tpu.memory_space<vmem>>[vector<16xi32>, vector<16xi32>], vector<16xf32>,
      %add3A_45 = arith.addf %add3A_40, %gather3A_44 : vector<16xf32>
      %add3A_46 = arith.constant 2 : i32
      %add3A_47 = vector.broadcast %add3A_46 : i32 to vector<16xi32>
      %add3A_48 = arith.addi %mul3A_24, %add3A_47 : vector<16xi32>
      %gather3A_49 = tpu.vector_load_idx %arg7[%add3A_48, %sub3A] : memref<13312x3xf32, #tpu.memory_space<vmem>>[vector<16xi32>, vector<16xi32>], vector<16xf32>,
      %add3A_50 = arith.addf %add3A_45, %gather3A_49 : vector<16xf32>
      %add3A_51 = arith.constant 3 : i32
      %add3A_52 = vector.broadcast %add3A_51 : i32 to vector<16xi32>
      %add3A_53 = arith.addi %mul3A_24, %add3A_52 : vector<16xi32>
      %gather3A_54 = tpu.vector_load_idx %arg7[%add3A_53, %sub3A] : memref<13312x3xf32, #tpu.memory_space<vmem>>[vector<16xi32>, vector<16xi32>], vector<16xf32>,
      %add3A_55 = arith.addf %add3A_50, %gather3A_54 : vector<16xf32>
      %add3A_56 = arith.constant 4 : i32
      %add3A_57 = vector.broadcast %add3A_56 : i32 to vector<16xi32>
      %add3A_58 = arith.addi %mul3A_24, %add3A_57 : vector<16xi32>
      %gather3A_59 = tpu.vector_load_idx %arg7[%add3A_58, %sub3A] : memref<13312x3xf32, #tpu.memory_space<vmem>>[vector<16xi32>, vector<16xi32>], vector<16xf32>,
      %add3A_60 = arith.addf %add3A_55, %gather3A_59 : vector<16xf32>
      %add3A_61 = arith.constant 5 : i32
      %add3A_62 = vector.broadcast %add3A_61 : i32 to vector<16xi32>
      %add3A_63 = arith.addi %mul3A_24, %add3A_62 : vector<16xi32>
      %gather3A_64 = tpu.vector_load_idx %arg7[%add3A_63, %sub3A] : memref<13312x3xf32, #tpu.memory_space<vmem>>[vector<16xi32>, vector<16xi32>], vector<16xf32>,
      %add3A_65 = arith.addf %add3A_60, %gather3A_64 : vector<16xf32>
      %add3A_66 = arith.constant 6 : i32
      %add3A_67 = vector.broadcast %add3A_66 : i32 to vector<16xi32>
      %add3A_68 = arith.addi %mul3A_24, %add3A_67 : vector<16xi32>
      %gather3A_69 = tpu.vector_load_idx %arg7[%add3A_68, %sub3A] : memref<13312x3xf32, #tpu.memory_space<vmem>>[vector<16xi32>, vector<16xi32>], vector<16xf32>,
      %add3A_70 = arith.addf %add3A_65, %gather3A_69 : vector<16xf32>
      %add3A_71 = arith.constant 7 : i32
      %add3A_72 = vector.broadcast %add3A_71 : i32 to vector<16xi32>
      %add3A_73 = arith.addi %mul3A_24, %add3A_72 : vector<16xi32>
      %gather3A_74 = tpu.vector_load_idx %arg7[%add3A_73, %sub3A] : memref<13312x3xf32, #tpu.memory_space<vmem>>[vector<16xi32>, vector<16xi32>], vector<16xf32>,
      %add3A_75 = arith.addf %add3A_70, %gather3A_74 : vector<16xf32>
      %add3A_76 = arith.constant 8 : i32
      %add3A_77 = vector.broadcast %add3A_76 : i32 to vector<16xi32>
      %add3A_78 = arith.addi %mul3A_24, %add3A_77 : vector<16xi32>
      %gather3A_79 = tpu.vector_load_idx %arg7[%add3A_78, %sub3A] : memref<13312x3xf32, #tpu.memory_space<vmem>>[vector<16xi32>, vector<16xi32>], vector<16xf32>,
      %add3A_80 = arith.addf %add3A_75, %gather3A_79 : vector<16xf32>
      %add3A_81 = arith.constant 9 : i32
      %add3A_82 = vector.broadcast %add3A_81 : i32 to vector<16xi32>
      %add3A_83 = arith.addi %mul3A_24, %add3A_82 : vector<16xi32>
      %gather3A_84 = tpu.vector_load_idx %arg7[%add3A_83, %sub3A] : memref<13312x3xf32, #tpu.memory_space<vmem>>[vector<16xi32>, vector<16xi32>], vector<16xf32>,
      %add3A_85 = arith.addf %add3A_80, %gather3A_84 : vector<16xf32>
      %add3A_86 = arith.constant 10 : i32
      %add3A_87 = vector.broadcast %add3A_86 : i32 to vector<16xi32>
      %add3A_88 = arith.addi %mul3A_24, %add3A_87 : vector<16xi32>
      %gather3A_89 = tpu.vector_load_idx %arg7[%add3A_88, %sub3A] : memref<13312x3xf32, #tpu.memory_space<vmem>>[vector<16xi32>, vector<16xi32>], vector<16xf32>,
      %add3A_90 = arith.addf %add3A_85, %gather3A_89 : vector<16xf32>
      %add3A_91 = arith.constant 11 : i32
      %add3A_92 = vector.broadcast %add3A_91 : i32 to vector<16xi32>
      %add3A_93 = arith.addi %mul3A_24, %add3A_92 : vector<16xi32>
      %gather3A_94 = tpu.vector_load_idx %arg7[%add3A_93, %sub3A] : memref<13312x3xf32, #tpu.memory_space<vmem>>[vector<16xi32>, vector<16xi32>], vector<16xf32>,
      %add3A_95 = arith.addf %add3A_90, %gather3A_94 : vector<16xf32>
      %add3A_96 = arith.constant 12 : i32
      %add3A_97 = vector.broadcast %add3A_96 : i32 to vector<16xi32>
      %add3A_98 = arith.addi %mul3A_24, %add3A_97 : vector<16xi32>
      %gather3A_99 = tpu.vector_load_idx %arg7[%add3A_98, %sub3A] : memref<13312x3xf32, #tpu.memory_space<vmem>>[vector<16xi32>, vector<16xi32>], vector<16xf32>,
      %add3A_100 = arith.addf %add3A_95, %gather3A_99 : vector<16xf32>
      %add3A_101 = arith.constant 13 : i32
      %add3A_102 = vector.broadcast %add3A_101 : i32 to vector<16xi32>
      %add3A_103 = arith.addi %mul3A_24, %add3A_102 : vector<16xi32>
      %gather3A_104 = tpu.vector_load_idx %arg7[%add3A_103, %sub3A] : memref<13312x3xf32, #tpu.memory_space<vmem>>[vector<16xi32>, vector<16xi32>], vector<16xf32>,
      %add3A_105 = arith.addf %add3A_100, %gather3A_104 : vector<16xf32>
      %add3A_106 = arith.constant 14 : i32
      %add3A_107 = vector.broadcast %add3A_106 : i32 to vector<16xi32>
      %add3A_108 = arith.addi %mul3A_24, %add3A_107 : vector<16xi32>
      %gather3A_109 = tpu.vector_load_idx %arg7[%add3A_108, %sub3A] : memref<13312x3xf32, #tpu.memory_space<vmem>>[vector<16xi32>, vector<16xi32>], vector<16xf32>,
      %add3A_110 = arith.addf %add3A_105, %gather3A_109 : vector<16xf32>
      %add3A_111 = arith.constant 15 : i32
      %add3A_112 = vector.broadcast %add3A_111 : i32 to vector<16xi32>
      %add3A_113 = arith.addi %mul3A_24, %add3A_112 : vector<16xi32>
      %gather3A_114 = tpu.vector_load_idx %arg7[%add3A_113, %sub3A] : memref<13312x3xf32, #tpu.memory_space<vmem>>[vector<16xi32>, vector<16xi32>], vector<16xf32>,
      %add3A_115 = arith.addf %add3A_110, %gather3A_114 : vector<16xf32>
      %add3A_116 = arith.constant 16 : i32
      %add3A_117 = vector.broadcast %add3A_116 : i32 to vector<16xi32>
      %add3A_118 = arith.addi %mul3A_24, %add3A_117 : vector<16xi32>
      %gather3A_119 = tpu.vector_load_idx %arg7[%add3A_118, %sub3A] : memref<13312x3xf32, #tpu.memory_space<vmem>>[vector<16xi32>, vector<16xi32>], vector<16xf32>,
      %add3A_120 = arith.addf %add3A_115, %gather3A_119 : vector<16xf32>
      %add3A_121 = arith.constant 17 : i32
      %add3A_122 = vector.broadcast %add3A_121 : i32 to vector<16xi32>
      %add3A_123 = arith.addi %mul3A_24, %add3A_122 : vector<16xi32>
      %gather3A_124 = tpu.vector_load_idx %arg7[%add3A_123, %sub3A] : memref<13312x3xf32, #tpu.memory_space<vmem>>[vector<16xi32>, vector<16xi32>], vector<16xf32>,
      %add3A_125 = arith.addf %add3A_120, %gather3A_124 : vector<16xf32>
      %add3A_126 = arith.constant 18 : i32
      %add3A_127 = vector.broadcast %add3A_126 : i32 to vector<16xi32>
      %add3A_128 = arith.addi %mul3A_24, %add3A_127 : vector<16xi32>
      %gather3A_129 = tpu.vector_load_idx %arg7[%add3A_128, %sub3A] : memref<13312x3xf32, #tpu.memory_space<vmem>>[vector<16xi32>, vector<16xi32>], vector<16xf32>,
      %add3A_130 = arith.addf %add3A_125, %gather3A_129 : vector<16xf32>
      %add3A_131 = arith.constant 19 : i32
      %add3A_132 = vector.broadcast %add3A_131 : i32 to vector<16xi32>
      %add3A_133 = arith.addi %mul3A_24, %add3A_132 : vector<16xi32>
      %gather3A_134 = tpu.vector_load_idx %arg7[%add3A_133, %sub3A] : memref<13312x3xf32, #tpu.memory_space<vmem>>[vector<16xi32>, vector<16xi32>], vector<16xf32>,
      %add3A_135 = arith.addf %add3A_130, %gather3A_134 : vector<16xf32>
      %add3A_136 = arith.constant 20 : i32
      %add3A_137 = vector.broadcast %add3A_136 : i32 to vector<16xi32>
      %add3A_138 = arith.addi %mul3A_24, %add3A_137 : vector<16xi32>
      %gather3A_139 = tpu.vector_load_idx %arg7[%add3A_138, %sub3A] : memref<13312x3xf32, #tpu.memory_space<vmem>>[vector<16xi32>, vector<16xi32>], vector<16xf32>,
      %add3A_140 = arith.addf %add3A_135, %gather3A_139 : vector<16xf32>
      %add3A_141 = arith.constant 21 : i32
      %add3A_142 = vector.broadcast %add3A_141 : i32 to vector<16xi32>
      %add3A_143 = arith.addi %mul3A_24, %add3A_142 : vector<16xi32>
      %gather3A_144 = tpu.vector_load_idx %arg7[%add3A_143, %sub3A] : memref<13312x3xf32, #tpu.memory_space<vmem>>[vector<16xi32>, vector<16xi32>], vector<16xf32>,
      %add3A_145 = arith.addf %add3A_140, %gather3A_144 : vector<16xf32>
      %add3A_146 = arith.constant 22 : i32
      %add3A_147 = vector.broadcast %add3A_146 : i32 to vector<16xi32>
      %add3A_148 = arith.addi %mul3A_24, %add3A_147 : vector<16xi32>
      %gather3A_149 = tpu.vector_load_idx %arg7[%add3A_148, %sub3A] : memref<13312x3xf32, #tpu.memory_space<vmem>>[vector<16xi32>, vector<16xi32>], vector<16xf32>,
      %add3A_150 = arith.addf %add3A_145, %gather3A_149 : vector<16xf32>
      %add3A_151 = arith.constant 23 : i32
      %add3A_152 = vector.broadcast %add3A_151 : i32 to vector<16xi32>
      %add3A_153 = arith.addi %mul3A_24, %add3A_152 : vector<16xi32>
      %gather3A_154 = tpu.vector_load_idx %arg7[%add3A_153, %sub3A] : memref<13312x3xf32, #tpu.memory_space<vmem>>[vector<16xi32>, vector<16xi32>], vector<16xf32>,
      %add3A_155 = arith.addf %add3A_150, %gather3A_154 : vector<16xf32>
      %add3A_156 = arith.constant 24 : i32
      %add3A_157 = vector.broadcast %add3A_156 : i32 to vector<16xi32>
      %add3A_158 = arith.addi %mul3A_24, %add3A_157 : vector<16xi32>
      %gather3A_159 = tpu.vector_load_idx %arg7[%add3A_158, %sub3A] : memref<13312x3xf32, #tpu.memory_space<vmem>>[vector<16xi32>, vector<16xi32>], vector<16xf32>,
      %add3A_160 = arith.addf %add3A_155, %gather3A_159 : vector<16xf32>
      %add3A_161 = arith.constant 25 : i32
      %add3A_162 = vector.broadcast %add3A_161 : i32 to vector<16xi32>
      %add3A_163 = arith.addi %mul3A_24, %add3A_162 : vector<16xi32>
      %gather3A_164 = tpu.vector_load_idx %arg7[%add3A_163, %sub3A] : memref<13312x3xf32, #tpu.memory_space<vmem>>[vector<16xi32>, vector<16xi32>], vector<16xf32>,
      %add3A_165 = arith.addf %add3A_160, %gather3A_164 : vector<16xf32>
      %mul3A_166 = arith.constant 16 : i32
      %mul3A_167 = arith.muli %scan3A_21, %mul3A_166 : i32
      %swap3A = arith.index_cast %mul3A_167 : i32 to index
      %swap3A_168 = tpu.vector_load %arg8[%swap3A] {strides = array<i32>} : memref<1536xf32, #tpu.memory_space<vmem>>, vector<16xf32>,
      tpu.vector_store %arg8[%swap3A], %add3A_165 {strides = array<i32>} : memref<1536xf32, #tpu.memory_space<vmem>>, vector<16xf32>,
      %add3A_169 = arith.addi %scan3A_22, %broadcast_in_dim3A_8 : vector<16xi32>
      scf.yield %add3A_169 : vector<16xi32>
    }
    %scan3A_18 = arith.constant 96 : i32
    %mul3A_19 = arith.constant 1536 : i32
    %mul3A_20 = arith.muli %add3A, %mul3A_19 : i32
    "tpu.region"() ({
      %run_scoped3A = tpu.sem_alloc : memref<!tpu.dma_semaphore, #tpu.memory_space<semaphore_mem>>
      %dma_start3A = tpu.memref_slice %arg5[%mul3A_20] : memref<49152xf32, #tpu.memory_space<hbm>> -> memref<1536xf32, #tpu.memory_space<hbm>>
      %dma_start3A_21 = tpu.memref_slice %arg5[%mul3A_20] : memref<49152xf32, #tpu.memory_space<hbm>> -> memref<1536xf32, #tpu.memory_space<hbm>>
      tpu.enqueue_dma source(%arg8 : memref<1536xf32, #tpu.memory_space<vmem>>) target(%dma_start3A_21 : memref<1536xf32, #tpu.memory_space<hbm>>) target_semaphore(%run_scoped3A : memref<!tpu.dma_semaphore, #tpu.memory_space<semaphore_mem>>)
      %dma_wait3A = tpu.memref_slice %arg5[%mul3A_20] : memref<49152xf32, #tpu.memory_space<hbm>> -> memref<1536xf32, #tpu.memory_space<hbm>>
      %dma_wait3A_22 = tpu.memref_slice %arg5[%mul3A_20] : memref<49152xf32, #tpu.memory_space<hbm>> -> memref<1536xf32, #tpu.memory_space<hbm>>
      tpu.wait_dma2 semaphore(%run_scoped3A : memref<!tpu.dma_semaphore, #tpu.memory_space<semaphore_mem>>) src(%arg8 : memref<1536xf32, #tpu.memory_space<vmem>>) dst(%dma_wait3A_22 : memref<1536xf32, #tpu.memory_space<hbm>>)
      tpu.yield
    }) : () -> ()
    return
  }
}

</mosaic_0001>

<sc_bundles>
// kernel: kernel.3.cloned.1.call-start
scs
__scs_entry_jumppad:
0x0: {  	(pc) =	sbr.rel $0x88, $3  }
0x1: {  	(tag) =	ssettag $0x0;
	lr =	simm.s32 $0x1  }
0x2: {  	[smem:$0x3F9E] =	sst lr;
	_ =	strace $0xD0000000  }
0x3: {  	_ = 	snop  }
0x4: {  	_ = 	snop  }
0x5: {  	_ = 	snop  }
0x6: {  	_ = 	snop  }
0x7: {  	_ = 	snop  }
__scs_overlays_trampoline_lowered:
0x8: {  	[smem:$0x3FAD] =	sst s0  }
0x9: {  	[smem:$0x3FAE] =	sst s1  }
0xa: {  	[smem:$0x3FAF] =	sst s2  }
0xb: {  	[smem:$0x3FB0] =	sst s3  }
0xc: {  	[smem:$0x3FB1] =	sst s4  }
0xd: {  	[smem:$0x3FB2] =	sst s5  }
0xe: {  	[smem:$0x3FB3] =	sst s6  }
0xf: {  	[smem:$0x3FB4] =	sst s7  }
0x10: {  	[smem:$0x3FB5] =	sst s8  }
0x11: {  	[smem:$0x3FB6] =	sst s9;
	s0 =	simm.s32 @!p0 $0x0  }
0x12: {  	s1 =	sld [smem:$0x3F9C];
	s0 =	simm.s32 @p0 $0x1  }
0x13: {  	[smem:$0x3FB7] =	sst s0;
	s0 =	simm.s32 @!p1 $0x0  }
0x14: {  	s2 =	sld [smem:$0x3F9B];
	s0 =	simm.s32 @p1 $0x1  }
0x15: {  	[smem:$0x3FB8] =	sst s0;
	s0 =	simm.s32 @!p2 $0x0  }
0x16: {  	s3 =	sld [smem:$0x3FDB];
	s0 =	simm.s32 @p2 $0x1  }
0x17: {  	s4 =	simm.s32 $0x1BF5;
	[smem:$0x3FBA] =	sst s0  }
0x18: {  	s0 =	sld [smem:$0x3F9D];
	_ =	swait.ge [sflag:s4], $0x0  }
0x19: {  	s7 =	sld [smem:$0x3F9E]  }
0x1a: {  	s8 =	sadd.s32 $0xFFFFE003, lr  }
0x1b: {  	s9 =	sadd.s32 $0xFFFFFEF7, lr;
	s5 =	simm.s32 $0xFFFFFFFF;
	p2 =	slt.u32 s8, $0xFFFFF086  }
0x1c: {  	p1 =	slt.u32 s9, $0xF7A;
	s5 =	simm.s32 @!p2 $0x0  }
0x1d: {  	s5 =	simm.s32 @p1 $0x1;
	p0 =	seq.s32 s7, s2  }
0x1e: {  	s7 =	smul.u32 @!p0 $0xF7A, s2;
	p2 =	seq.s32 @!p0 s5, $0x0  }
0x1f: {  	s9 =	smul.u32 $0xF7A, s1;
	s8 =	simm.s32 @!p0 $0x1BF5;
	p2 =	por !p2, p0  }
0x20: {  	[sflag:s8] =	ssyncset.s32 @!p0 $0xFFFFF086;
	s6 =	sadd.s32 @!p0 s3, s7;
	s7 =	simm.s32 @!p0 $0x108  }
0x21: {  	s3 =	sadd.s32 s3, s9;
	s6 =	sadd.s32 @!p0 $0x88, s6;
	s7 =	simm.s32 @p2 $0x1082  }
0x22: {  	[simem:s7], [sflag:s8] =	dma.local @!p0 [hbm:s6], $0xF7A  }
0x23: {  	s9 =	sor.u32 $0xD0000000, s2;
	s6 =	simm.s32 $0x108;
	_ =	swait.ge @!p0 [sflag:s8], $0x0  }
0x24: {  	s3 =	sadd.s32 $0x88, s3;
	s6 =	simm.s32 @!p1 $0x1082;
	[sflag:s4] =	ssyncset.s32 $0xFFFFF086  }
0x25: {  	[simem:s6], [sflag:s4] =	dma.local [hbm:s3], $0xF7A  }
0x26: {  	[smem:$0x3F9E] =	sst s1;
	(tag) =	ssettag s2;
	_ =	strace s9  }
0x27: {  	s1 =	sld [smem:$0x3FAE]  }
0x28: {  	s2 =	sld [smem:$0x3FAF]  }
0x29: {  	s4 =	sld [smem:$0x3FB1]  }
0x2a: {  	p0 =	seq.s32 s5, $0x0;
	s5 =	sld [smem:$0x3FB2]  }
0x2b: {  	s6 =	sld [smem:$0x3FB3]  }
0x2c: {  	s7 =	sld [smem:$0x3FB4]  }
0x2d: {  	s3 =	simm.s32 $0x108;
	s8 =	sld [smem:$0x3FB5]  }
0x2e: {  	s3 =	simm.s32 @!p0 $0x1082;
	s9 =	sld [smem:$0x3FB6]  }
0x2f: {  	lr =	sadd.s32 s0, s3;
	s0 =	sld [smem:$0x3FAD]  }
0x30: {  	s3 =	sld [smem:$0x3FB0]  }
0x31: {  	[smem:$0x3FB9] =	sst s10  }
0x32: {  	s10 =	sld [smem:$0x3FB7];
	_ =	sdelay $0x3  }
0x33: {  	p0 =	seq.s32 s10, $0x1;
	s10 =	sld [smem:$0x3FB9];
	_ =	sdelay $0x3  }
0x34: {  	[smem:$0x3FB9] =	sst s10  }
0x35: {  	s10 =	sld [smem:$0x3FB8];
	_ =	sdelay $0x3  }
0x36: {  	p1 =	seq.s32 s10, $0x1;
	s10 =	sld [smem:$0x3FB9];
	_ =	sdelay $0x3  }
0x37: {  	[smem:$0x3FB9] =	sst s10  }
0x38: {  	s10 =	sld [smem:$0x3FBA]  }
0x39: {  	_ = 	snop;
	(pc) =	sbr.ind lr, $3  }
0x3a: {  	_ = 	snop  }
0x3b: {  	_ = 	snop  }
0x3c: {  	p2 =	seq.s32 s10, $0x1;
	s10 =	sld [smem:$0x3FB9]  }
0x3d: {  	_ =	shalt  }
0x3e: {  	_ =	shalt  }
0x3f: {  	_ =	shalt  }
0x40: {  	_ =	shalt  }
0x41: {  	_ =	shalt  }
0x42: {  	_ =	shalt  }
0x43: {  	_ =	shalt  }
0x44: {  	_ =	shalt  }
0x45: {  	_ =	shalt  }
0x46: {  	_ =	shalt  }
0x47: {  	_ =	shalt  }
0x48: {  	_ =	shalt  }
0x49: {  	_ =	shalt  }
0x4a: {  	_ =	shalt  }
0x4b: {  	_ =	shalt  }
0x4c: {  	_ =	shalt  }
0x4d: {  	_ =	shalt  }
0x4e: {  	_ =	shalt  }
0x4f: {  	_ =	shalt  }
0x50: {  	_ =	shalt  }
0x51: {  	_ =	shalt  }
0x52: {  	_ =	shalt  }
0x53: {  	_ =	shalt  }
0x54: {  	_ =	shalt  }
0x55: {  	_ =	shalt  }
0x56: {  	_ =	shalt  }
0x57: {  	_ =	shalt  }
0x58: {  	_ =	shalt  }
0x59: {  	_ =	shalt  }
0x5a: {  	_ =	shalt  }
0x5b: {  	_ =	shalt  }
0x5c: {  	_ =	shalt  }
0x5d: {  	_ =	shalt  }
0x5e: {  	_ =	shalt  }
0x5f: {  	_ =	shalt  }
0x60: {  	_ =	shalt  }
0x61: {  	_ =	shalt  }
0x62: {  	_ =	shalt  }
0x63: {  	_ =	shalt  }
0x64: {  	_ =	shalt  }
0x65: {  	_ =	shalt  }
0x66: {  	_ =	shalt  }
0x67: {  	_ =	shalt  }
0x68: {  	_ =	shalt  }
0x69: {  	_ =	shalt  }
0x6a: {  	_ =	shalt  }
0x6b: {  	_ =	shalt  }
0x6c: {  	_ =	shalt  }
0x6d: {  	_ =	shalt  }
0x6e: {  	_ =	shalt  }
0x6f: {  	_ =	shalt  }
0x70: {  	_ =	shalt  }
0x71: {  	_ =	shalt  }
0x72: {  	_ =	shalt  }
0x73: {  	_ =	shalt  }
0x74: {  	_ =	shalt  }
0x75: {  	_ =	shalt  }
0x76: {  	_ =	shalt  }
0x77: {  	_ =	shalt  }
0x78: {  	_ =	shalt  }
0x79: {  	_ =	shalt  }
0x7a: {  	_ =	shalt  }
0x7b: {  	_ =	shalt  }
0x7c: {  	_ =	shalt  }
0x7d: {  	_ =	shalt  }
0x7e: {  	_ =	shalt  }
0x7f: {  	_ =	shalt  }
0x80: {  	_ =	shalt  }
0x81: {  	_ =	shalt  }
0x82: {  	_ =	shalt  }
0x83: {  	_ =	shalt  }
0x84: {  	_ =	shalt  }
0x85: {  	_ =	shalt  }
0x86: {  	_ =	shalt  }
0x87: {  	_ =	shalt  }
.Lfunc_end0:
.L_simem_size_0:
called_computation_lowered:
.L_overlay_start_0:
0x88: {  	s2 =	sld [smem:$0x3FD9]  }
0x89: {  	s3 =	sld [smem:$0x3FFE];
	_ =	sdelay $0x1  }
0x8a: {  	s1 =	srdreg.scid  }
0x8b: {  	s0 =	sand.u32 $0x1, s1  }
0x8c: {  	s17 =	sshll.u32 s0, $0xA;
	s2 =	sadd.s32 s3, s2  }
0x8d: {  	s2 =	sadd.s32 s2, s17  }
0x8e: {  	[smem:$0x3FC5] =	sst s2  }
0x8f: {  	_ = 	snop  }
0x90: {  	s2 =	sld [smem:$0x3FD0];
	(tm) =	ssettm $0x1  }
0x91: {  	s18 =	sld [smem:$0x3FFB];
	_ =	sdelay $0x3  }
0x92: {  	_ =	strace s18  }
0x93: {  	s3 =	sld [smem:$0x3FFC];
	_ =	sdelay $0x3  }
0x94: {  	_ =	strace s3  }
0x95: {  	s3 =	sld [smem:$0x3FFD];
	_ =	sdelay $0x3  }
0x96: {  	_ =	strace s3  }
0x97: {  	_ =	strace $0x8FFFFFFF  }
0x98: {  	s19 =	sld [smem:$0x3FDB];
	_ =	sdelay $0x1  }
0x99: {  	s4 =	simm.s32 $_scs_section_size  }
0x9a: {  	s5 =	simm.s32 $_size__tile_overlayer_lowered;
	s6 =	simm.s32 $_tile_overlayer_lowered  }
0x9b: {  	s22 =	simm.s32 $0x1BFF;
	s21 =	sshll.u32 s6, $0x1;
	s3 =	sadd.s32 s4, s19  }
0x9c: {  	s7 =	simm.s32 $0x0;
	s20 =	sshll.u32 s5, $0x1;
	s5 =	sadd.s32 s21, s3  }
0x9d: {  	[timem:s7], [sflag:s22] =	dma.local [hbm:s5], s20  }
0x9e: {  	_ =	swait.ge [sflag:s22], s20  }
0x9f: {  	s4 =	ssub.s32 $0x0, s20;
	[sflag:s22] =	ssyncset.done $0x0  }
0xa0: {  	[sflag:s22] =	ssyncadd.s32 s4;
	_ =	sdelay $0x1  }
0xa1: {  	s23 =	simm.s32 $0x1B8B  }
0xa2: {  	_ =	swait.ge [sflag:s23], $0x1  }
0xa3: {  	[sflag:s23] =	ssyncset.done $0x0  }
0xa4: {  	s25 =	simm.s32 $0x1B8E;
	s24 =	sld [smem:$0x3FFE];
	[sflag:s23] =	ssyncadd.s32 $0xFFFFFFFF  }
0xa5: {  	s26 =	simm.s32 $execute0_lowered;
	[smem:$0x3FD2] =	sst s25  }
0xa6: {  	s5 =	sshll.u32 s26, $0x1;
	_ =	strace $0x80000046;
	[dreg:$0x1] =	wrdreg $0xFFFFFFFF  }
0xa7: {  	s28 =	simm.s32 $_size_execute0_lowered;
	s3 =	sadd.s32 s3, s5;
	[dreg:$0x0] =	wrdreg $0x0  }
0xa8: {  	s5 =	sshll.u32 s28, $0x1;
	[dreg:$0x2] =	wrdreg s3  }
0xa9: {  	[dreg:$0x3] =	wrdreg s5  }
0xaa: {  	[dreg:$0x4] =	wrdreg $0xC0  }
0xab: {  	_ =	task [dreg:s7], $0x5FFFF  }
0xac: {  	[dreg:$0x1] =	wrdreg $0xFFFFFFFF  }
0xad: {  	[dreg:$0x0] =	wrdreg $0x60  }
0xae: {  	[dreg:$0x2] =	wrdreg s24  }
0xaf: {  	[dreg:$0x3] =	wrdreg s2  }
0xb0: {  	[dreg:$0x4] =	wrdreg $0x9  }
0xb1: {  	_ =	task.clear_ibuf [dreg:s7], $0x5FFFF;
	_ =	strace $0x90000046  }
0xb2: {  	s29 =	simm.s32 $0x9;
	_ =	strace $0x80000048  }
0xb3: {  	_ =	swait.ge [sflag:s29], $0x1  }
0xb4: {  	[sflag:s29] =	ssyncadd.s32 $0xFFFFFFFF  }
0xb5: {  	_ =	strace $0x90000048  }
0xb6: {  	_ =	sfence  }
0xb7: {  	s30 =	sld [smem:$0x0];
	_ =	sdelay $0x2  }
0xb8: {  	s31 =	sshll.u32 s1, $0xD;
	s1 =	sshrl.u32 s1, $0x2  }
0xb9: {  	s3 =	sand.u32 $0x4000, s31;
	s1 =	sadd.s32 s1, s30  }
0xba: {  	s0 =	sor.u32 s3, s0;
	s1 =	sshll.u32 s1, $0x11  }
0xbb: {  	s0 =	sor.u32 s1, s0  }
0xbc: {  	s0 =	sadd.s32 $0x8F2B, s0  }
0xbd: {  	[sflag:s0] =	ssyncadd.remote.s32 $0x1  }
0xbe: {  	_ =	sfence.sel $0xFFFF  }
0xbf: {  	[dreg:$0x0] =	wrdreg $0xFFFFFFFF;
	(pc) =	sbr.abs _section_cstart, $3  }
0xc0: {  	[dreg:$0x1] =	wrdreg $0xFFFFFFFF  }
0xc1: {  	_ =	task.clear_ibuf [dreg:s7], $0x2FFFF;
	_ =	strace $0x9FFFFFFF  }
0xc2: {  	(tm) =	ssettm $0x7FFFFFFF  }
0xc3: {  	_ =	shalt  }
tec
execute0_lowered:
.L_overlay_start_1:
0x0: {  	(tag) =	ssettag $0x1  }
0x1: {  	s0 =	srdreg.scid;
	s2 =	stileid.u32  }
0x2: {  	s1 =	rddreg [dreg:$0x0];
	s0 =	sand.u32 $0x1, s0;
	s2 =	sshll.u32 s2, $0x1  }
0x3: {  	s3 =	rddreg [dreg:$0x1];
	s2 =	sor.u32 s0, s2  }
0x4: {  	s7 =	simm.s32 $0x0;
	s12 =	simm.s32 $0x3400;
	s4 =	smul.u32 $0x680, s2  }
0x5: {  	[smem:$0x7FF] =	sst s7;
	s0 =	ssub.s32 $0x2, s0;
	s2 =	smul.u32 $0xC0, s2  }
0x6: {  	s29 =	sadd.s32 $0x288A00, s1;
	_ =	strace $0x80000047;
	s6 =	sshrl.u32 s0, $0x1  }
0x7: {  	v0 =	vimm.s32 $0xECA86420;
	vm0 =	vcmask $0xB08;
	[dreg:$0x6] =	wrdreg s29;
	s0 =	ssub.s32 s0, s6;
	s31 =	sadd.s32 s3, s2  }
0x8: {  	vm1 =	vcmask $0x1310;
	vm2 =	vcmask $0x1B18;
	vm3 =	vcmask $0x300;
	s5 =	sadd.s32 s4, s1;
	s0 =	smax.u32 s0, $0x1;
	[dreg:$0x9] =	wrdreg s31  }
0x9: {  	vm4 =	vcmask $0x2320;
	vm5 =	vcmask $0x2B28;
	v0 =	vunpack.c.l.s4.s8 v0;
	s4 =	sadd.s32 $0xC00, s1;
	s2 =	simm.s32 $0x2;
	[dreg:$0xa] =	wrdreg s0  }
0xa: {  	vm6 =	vcmask $0x3330;
	v1 =	vlaneseq.u32;
	vm7 =	vcmask $0x3B38;
	s3 =	simm.s32 $0x80;
	s30 =	sadd.s32 $0x27BA00, s5;
	[dreg:$0x7] =	wrdreg s4  }
0xb: {  	vm8 =	vmmov $0xff;
	v1 =	vmul.u32 $0x2, v1;
	v0 =	vunpack.c.0.s8.s32 v0;
	s1 =	simm.s32 $0x0;
	s5 =	simm.s32 $0x1;
	[dreg:$0x8] =	wrdreg s30  }
.LBB2_1:
0xc: {  	[dreg:$0xb] =	wrdreg s1  }
0xd: {  	s0 =	rddreg [dreg:$0x6];
	s30 =	simm.s32 $0x1DA00  }
0xe: {  	[tilespmem:s30], [sflag:$0x2] =	stream.linear.gather [hbm4b:s0+s7], $0x30, $0x38;
	[tilespmem:$0x1DA30] =	vst v63  }
0xf: {  	_ =	swait.ge [sflag:s2], $0x30  }
0x10: {  	[sflag:s2] =	ssyncset.done $0x0  }
0x11: {  	s31 =	rddreg [dreg:$0x8];
	[sflag:s2] =	ssyncadd.s32 $0xFFFFFFD0  }
0x12: {  	[tilespmem:s7], [sflag:$0x2] =	stream.linear.gather [hbm4b:s31+s7], $0x3400, $0x38;
	[tilespmem:$0x1DA30] =	vst v63  }
0x13: {  	_ =	swait.ge [sflag:s2], $0x3400  }
0x14: {  	[sflag:s2] =	ssyncset.done $0x0  }
0x15: {  	s1 =	simm.s32 $0x0;
	s0 =	simm.s32 $0x3400;
	[sflag:s2] =	ssyncadd.s32 $0xFFFFCC00  }
.LBB2_2:
0x16: {  	p0 =	sne.s32 s1, $0xCE00  }
.Ltmp0:
0x17: {  	s2 =	sshra.s32 s1, $0x2;
	(pc) =	sbr.rel @p0 .LBB2_2-.Ltmp0, $4  }
0x18: {  	[tilespmem:s0], [sflag:$0x1] =	stream.indirect.gather [hbm4b:s4+s3], $0x3, s2, s3, $0xb8;
	[tilespmem:$0x1DA30] =	vst v63  }
0x19: {  	_ =	swait.ge [sflag:s5], $0x180  }
0x1a: {  	[sflag:s5] =	ssyncset.done $0x0  }
0x1b: {  	s1 =	sadd.s32 $0x200, s1;
	s0 =	sadd.s32 $0x400, s0;
	[sflag:s5] =	ssyncadd.s32 $0xFFFFFE80  }
0x1c: {  	v3 =	vlaneseq.u32  }
0x1d: {  	(v2sf) =	vpush v3, $0x7  }
0x1e: {  	(v2sf) =	vpush v3, $0x6  }
0x1f: {  	(v2sf) =	vpush v3, $0xF  }
0x20: {  	(v2sf) =	vpush v3, $0xB;
	_ =	sdelay $0x1  }
0x21: {  	(v2sf) =	vpush v3, $0x5;
	_ =	sdelay $0x1  }
0x22: {  	(v2sf) =	vpush v3, $0xE;
	_ =	sdelay $0x1  }
0x23: {  	(v2sf) =	vpush v3, $0xA;
	_ =	sdelay $0x1  }
0x24: {  	(v2sf) =	vpush v3, $0x4  }
0x25: {  	(v2sf) =	vpush v3, $0xD;
	_ =	sdelay $0x2  }
0x26: {  	(v2sf) =	vpush v3, $0x9;
	s8 =	spop (v2sf)  }
0x27: {  	(v2sf) =	vpush v3, $0xC;
	s13 =	spop (v2sf);
	s0 =	smulhi.u32 $0x55555556, s8  }
0x28: {  	s2 =	spop (v2sf);
	s1 =	smulhi.u32 $0x55555556, s13  }
0x29: {  	s9 =	spop (v2sf);
	s18 =	smulhi.u32 $0x55555556, s2  }
0x2a: {  	(v2sf) =	vpush v3, $0x8;
	s2 =	sshra.s32 s2, $0x1F;
	s15 =	smulhi.u32 $0x55555556, s9  }
0x2b: {  	s5 =	spop (v2sf);
	s2 =	smul.u32 $0x55555556, s2  }
0x2c: {  	s9 =	sshra.s32 s9, $0x1F;
	s3 =	smulhi.u32 $0x55555556, s5  }
0x2d: {  	(v2sf) =	vpush v3, $0x2;
	s16 =	spop (v2sf);
	s9 =	smul.u32 $0x55555556, s9  }
0x2e: {  	(v2sf) =	vpush v3, $0x1;
	s5 =	sshra.s32 s5, $0x1F;
	s20 =	smulhi.u32 $0x55555556, s16  }
0x2f: {  	(v2sf) =	vpush v3, $0x0;
	s17 =	spop (v2sf);
	s5 =	smul.u32 $0x55555556, s5  }
0x30: {  	s16 =	sshra.s32 s16, $0x1F;
	s22 =	smulhi.u32 $0x55555556, s17  }
0x31: {  	s6 =	spop (v2sf);
	s17 =	sshra.s32 s17, $0x1F;
	s16 =	smul.u32 $0x55555556, s16  }
0x32: {  	s7 =	spop (v2sf);
	s17 =	smul.u32 $0x55555556, s17  }
0x33: {  	s24 =	smulhi.u32 $0x55555556, s7;
	s7 =	sshra.s32 s7, $0x1F  }
0x34: {  	s14 =	smul.u32 $0x55555556, s7  }
0x35: {  	s19 =	spop (v2sf);
	(v2sf) =	vpush v3, $0x3;
	s7 =	smulhi.u32 $0x55555556, s6  }
0x36: {  	s21 =	spop (v2sf);
	s11 =	smulhi.u32 $0x55555556, s19  }
0x37: {  	s19 =	sshra.s32 s19, $0x1F;
	s26 =	smulhi.u32 $0x55555556, s21  }
0x38: {  	s6 =	sshra.s32 s6, $0x1F;
	s19 =	smul.u32 $0x55555556, s19  }
0x39: {  	s2 =	sadd.s32 s2, s18;
	s23 =	spop (v2sf);
	s6 =	smul.u32 $0x55555556, s6  }
0x3a: {  	s9 =	sadd.s32 s9, s15;
	s21 =	sshra.s32 s21, $0x1F;
	s29 =	smulhi.u32 $0x55555556, s23  }
0x3b: {  	s16 =	sadd.s32 s16, s20;
	s21 =	smul.u32 $0x55555556, s21;
	s4 =	sshra.s32 s23, $0x1F  }
0x3c: {  	s17 =	sadd.s32 s17, s22;
	s25 =	spop (v2sf);
	s23 =	smul.u32 $0x55555556, s4  }
0x3d: {  	s14 =	sadd.s32 s14, s24;
	s28 =	spop (v2sf);
	s24 =	smulhi.u32 $0x55555556, s25  }
0x3e: {  	s25 =	sshra.s32 s25, $0x1F;
	s19 =	sadd.s32 s19, s11;
	s30 =	spop (v2sf)  }
0x3f: {  	s6 =	sadd.s32 s6, s7;
	s31 =	smulhi.u32 $0x55555556, s30;
	s10 =	sshra.s32 s30, $0x1F  }
0x40: {  	s21 =	sadd.s32 s21, s26;
	s23 =	sadd.s32 s23, s29;
	s30 =	smul.u32 $0x55555556, s10  }
0x41: {  	s26 =	sshrl.u32 s21, $0x1F;
	v2 =	vmov s21;
	s4 =	sshrl.u32 s23, $0x1F;
	s10 =	smul.u32 $0x55555556, s25  }
0x42: {  	v4 =	vmov s23;
	v2 =	vsel vm0, s14, v2;
	s25 =	sshrl.u32 s16, $0x1F;
	v7 =	vmov s4;
	s4 =	sshrl.u32 s17, $0x1F;
	s29 =	sadd.s32 s30, s31  }
0x43: {  	v4 =	vsel vm0, s19, v4;
	v2 =	vsel vm1, s16, v2;
	s30 =	smulhi.u32 $0x55555556, s28;
	s28 =	sshra.s32 s28, $0x1F;
	s31 =	sshrl.u32 s14, $0x1F  }
0x44: {  	v6 =	vmov s26;
	s14 =	sadd.s32 s10, s24;
	v4 =	vsel vm1, s17, v4;
	v2 =	vsel vm2, s2, v2;
	s28 =	smul.u32 $0x55555556, s28;
	s11 =	spop (v2sf)  }
0x45: {  	s22 =	sshrl.u32 s29, $0x1F;
	v5 =	vmov s29;
	v6 =	vsel vm0, s31, v6;
	v4 =	vsel vm2, s9, v4;
	s23 =	smulhi.u32 $0x55555556, s11;
	s26 =	sshra.s32 s11, $0x1F  }
0x46: {  	s2 =	sshrl.u32 s2, $0x1F;
	v5 =	vnsel vm3, $0x0, v5;
	v8 =	vmov s22;
	v6 =	vsel vm1, s25, v6;
	s21 =	sadd.s32 s28, s30;
	s16 =	smul.u32 $0x55555556, s26  }
0x47: {  	v2 =	vcombine.low v4, v2;
	s28 =	sshrl.u32 s19, $0x1F;
	v8 =	vnsel vm3, $0x0, v8;
	s10 =	sshrl.u32 s21, $0x1F;
	v5 =	vsel vm0, s21, v5;
	s21 =	sshra.s32 s13, $0x1F  }
0x48: {  	s19 =	sshrl.u32 s14, $0x1F;
	v4 =	vsel vm2, s2, v6;
	v7 =	vsel vm0, s28, v7;
	v8 =	vsel vm0, s10, v8;
	s22 =	smul.u32 $0x55555556, s21;
	s16 =	sadd.s32 s16, s23  }
0x49: {  	v5 =	vsel vm1, s14, v5;
	v7 =	vsel vm1, s4, v7;
	v6 =	vsel vm1, s19, v8;
	s11 =	sshrl.u32 s9, $0x1F;
	s23 =	sshra.s32 s8, $0x1F;
	s24 =	sshrl.u32 s16, $0x1F  }
0x4a: {  	s3 =	sadd.s32 s5, s3;
	v7 =	vsel vm2, s11, v7;
	s26 =	sshrl.u32 s6, $0x1F;
	v5 =	vsel vm2, s16, v5;
	s25 =	smul.u32 $0x55555556, s23;
	v6 =	vsel vm2, s24, v6  }
0x4b: {  	s4 =	sshrl.u32 s3, $0x1F;
	s1 =	sadd.s32 s22, s1;
	v4 =	vcombine.low v7, v4;
	v5 =	vsel vm4, s6, v5;
	v6 =	vsel vm4, s26, v6  }
0x4c: {  	v7 =	vperm.xlane v2, v0;
	s6 =	sshrl.u32 s1, $0x1F;
	v2 =	vsel vm5, s3, v5;
	s0 =	sadd.s32 s25, s0;
	v5 =	vsel vm5, s4, v6  }
0x4d: {  	v2 =	vsel vm6, s1, v2;
	s7 =	sshrl.u32 s0, $0x1F;
	v5 =	vsel vm6, s6, v5  }
0x4e: {  	v4 =	vperm.xlane v4, v0;
	v6 =	vsel vm7, s0, v2;
	v5 =	vsel vm7, s7, v5  }
0x4f: {  	v6 =	vperm.xlane v6, v1;
	v5 =	vperm.xlane v5, v1;
	_ =	sdelay $0x1  }
0x50: {  	v2 =	vadd.s32 $0x10, v3;
	v6 =	vsel vm8, v6, v7;
	v4 =	vsel vm8, v5, v4  }
0x51: {  	(v2sf) =	vpush v2, $0x7;
	v4 =	vadd.s32 v4, v6  }
0x52: {  	s8 =	simm.s32 $0x0;
	(v2sf) =	vpush v2, $0x6;
	v5 =	vmul.u32 $0xFFFFFFFD, v4  }
0x53: {  	s0 =	smul.u32 $0xAB, s8;
	(v2sf) =	vpush v2, $0xF  }
0x54: {  	(v2sf) =	vpush v2, $0xB;
	v4 =	vmul.u32 $0xD0, v4;
	v3 =	vadd.s32 v3, v5  }
0x55: {  	s0 =	sshrl.u32 s0, $0x9;
	v5 =	vand.u32 $0xFFFFFFF8, v3  }
0x56: {  	s0 =	smul.u32 $0x3, s0;
	(v2sf) =	vpush v2, $0x5;
	v3 =	vand.u32 $0x7, v3;
	v4 =	vadd.s32 v4, v5  }
0x57: {  	(v2sf) =	vpush v2, $0xE;
	v3 =	vor.u32 v3, v4  }
0x58: {  	s0 =	ssub.s32 $0x0, s0;
	(v2sf) =	vpush v2, $0xA  }
0x59: {  	s0 =	sand.u32 $0x5F, s0;
	(v2sf) =	vpush v2, $0x4;
	v4 =	vadd.s32 $0x8, v3  }
0x5a: {  	s0 =	sshll.u32 s0, $0x4;
	(v2sf) =	vpush v2, $0xD  }
0x5b: {  	v7 =	vld [tilespmem:s0+$0x1DA00];
	v5 =	vadd.s32 $0x10, v3  }
0x5c: {  	v6 =	vld.idx.msk [tilespmem:v3+s12+$0x0], $0xffff  }
0x5d: {  	(v2sf) =	vpush v2, $0x9;
	v8 =	vadd.s32 $0x18, v3  }
0x5e: {  	(v2sf) =	vpush v2, $0xC;
	v4 =	vld.idx.msk [tilespmem:v4+s12+$0x0], $0xffff  }
0x5f: {  	v9 =	vadd.s32 $0x20, v3  }
0x60: {  	(v2sf) =	vpush v2, $0x8;
	s16 =	spop (v2sf);
	v5 =	vld.idx.msk [tilespmem:v5+s12+$0x0], $0xffff  }
0x61: {  	v10 =	vadd.s32 $0x28, v3;
	s18 =	spop (v2sf);
	s15 =	smulhi.u32 $0x55555556, s16;
	v6 =	vadd.f32 v6, v7  }
0x62: {  	(v2sf) =	vpush v2, $0x2;
	s6 =	spop (v2sf);
	s17 =	smulhi.u32 $0x55555556, s18;
	v7 =	vld.idx.msk [tilespmem:v8+s12+$0x0], $0xffff  }
0x63: {  	(v2sf) =	vpush v2, $0x1;
	s20 =	spop (v2sf);
	s3 =	smulhi.u32 $0x55555556, s6;
	v8 =	vadd.s32 $0x30, v3;
	v4 =	vadd.f32 v4, v6  }
0x64: {  	(v2sf) =	vpush v2, $0x0;
	s6 =	sshra.s32 s6, $0x1F;
	s8 =	smulhi.u32 $0x55555556, s20;
	v6 =	vld.idx.msk [tilespmem:v9+s12+$0x0], $0xffff  }
0x65: {  	s19 =	spop (v2sf);
	s6 =	smul.u32 $0x55555556, s6;
	v9 =	vadd.s32 $0x38, v3;
	v4 =	vadd.f32 v5, v4  }
0x66: {  	s21 =	spop (v2sf);
	s1 =	smulhi.u32 $0x55555556, s19;
	v5 =	vld.idx.msk [tilespmem:v10+s12+$0x0], $0xffff  }
0x67: {  	s22 =	spop (v2sf);
	s7 =	smulhi.u32 $0x55555556, s21;
	v10 =	vadd.s32 $0x40, v3;
	v4 =	vadd.f32 v7, v4  }
0x68: {  	s0 =	spop (v2sf);
	s13 =	smulhi.u32 $0x55555556, s22;
	v7 =	vld.idx.msk [tilespmem:v8+s12+$0x0], $0xffff  }
0x69: {  	s9 =	spop (v2sf);
	s5 =	smulhi.u32 $0x55555556, s0;
	v8 =	vadd.s32 $0x48, v3;
	v4 =	vadd.f32 v6, v4  }
0x6a: {  	s0 =	sshra.s32 s0, $0x1F;
	s4 =	smulhi.u32 $0x55555556, s9;
	v6 =	vld.idx.msk [tilespmem:v9+s12+$0x0], $0xffff  }
0x6b: {  	s2 =	sshra.s32 s9, $0x1F;
	s0 =	smul.u32 $0x55555556, s0;
	v9 =	vadd.s32 $0x50, v3;
	v4 =	vadd.f32 v5, v4  }
0x6c: {  	s10 =	spop (v2sf);
	s2 =	smul.u32 $0x55555556, s2;
	v5 =	vld.idx.msk [tilespmem:v10+s12+$0x0], $0xffff  }
0x6d: {  	s23 =	spop (v2sf);
	(v2sf) =	vpush v2, $0x3;
	s31 =	smulhi.u32 $0x55555556, s10;
	v10 =	vadd.s32 $0x58, v3;
	v4 =	vadd.f32 v7, v4  }
0x6e: {  	s10 =	sshra.s32 s10, $0x1F;
	s11 =	smulhi.u32 $0x55555556, s23;
	v7 =	vld.idx.msk [tilespmem:v8+s12+$0x0], $0xffff  }
0x6f: {  	s25 =	spop (v2sf);
	s10 =	smul.u32 $0x55555556, s10;
	v8 =	vadd.s32 $0x60, v3;
	v4 =	vadd.f32 v6, v4  }
0x70: {  	s3 =	sadd.s32 s6, s3;
	s9 =	sshra.s32 s23, $0x1F;
	s28 =	smulhi.u32 $0x55555556, s25;
	v6 =	vld.idx.msk [tilespmem:v9+s12+$0x0], $0xffff  }
0x71: {  	s24 =	spop (v2sf);
	s9 =	smul.u32 $0x55555556, s9;
	s14 =	sshra.s32 s25, $0x1F;
	v9 =	vadd.s32 $0x68, v3;
	v4 =	vadd.f32 v5, v4  }
0x72: {  	s0 =	sadd.s32 s0, s5;
	s26 =	spop (v2sf);
	s14 =	smul.u32 $0x55555556, s14;
	v5 =	vld.idx.msk [tilespmem:v10+s12+$0x0], $0xffff  }
0x73: {  	s2 =	sadd.s32 s2, s4;
	s25 =	smulhi.u32 $0x55555556, s24;
	s29 =	spop (v2sf);
	v10 =	vadd.s32 $0x70, v3;
	v4 =	vadd.f32 v7, v4  }
0x74: {  	v12 =	vadd.s32 $0x78, v3;
	s4 =	sshra.s32 s21, $0x1F;
	s30 =	smulhi.u32 $0x55555556, s29;
	s29 =	sshra.s32 s29, $0x1F;
	v7 =	vld.idx.msk [tilespmem:v8+s12+$0x0], $0xffff  }
0x75: {  	v14 =	vadd.s32 $0x80, v3;
	v15 =	vadd.s32 $0x88, v3;
	s10 =	sadd.s32 s10, s31;
	s9 =	sadd.s32 s9, s11;
	s29 =	smul.u32 $0x55555556, s29;
	v4 =	vadd.f32 v6, v4  }
0x76: {  	v52 =	vadd.s32 $0x90, v3;
	v54 =	vadd.s32 $0x98, v3;
	v55 =	vadd.s32 $0xA0, v3;
	s11 =	sshra.s32 s22, $0x1F;
	s14 =	sadd.s32 s14, s28;
	s28 =	smulhi.u32 $0x55555556, s26;
	v9 =	vld.idx.msk [tilespmem:v9+s12+$0x0], $0xffff  }
0x77: {  	v57 =	vadd.s32 $0xA8, v3;
	v58 =	vadd.s32 $0xB0, v3;
	s22 =	sshra.s32 s24, $0x1F;
	s21 =	smul.u32 $0x55555556, s11;
	s23 =	sadd.s32 s29, s30;
	v4 =	vadd.f32 v5, v4  }
0x78: {  	v59 =	vadd.s32 $0xB8, v3;
	v60 =	vadd.s32 $0xC0, v3;
	s26 =	sshra.s32 s26, $0x1F;
	s22 =	smul.u32 $0x55555556, s22;
	v13 =	vmov s23;
	s11 =	sshrl.u32 s23, $0x1F;
	v5 =	vld.idx.msk [tilespmem:v10+s12+$0x0], $0xffff  }
0x79: {  	s13 =	sadd.s32 s21, s13;
	s21 =	sshrl.u32 s10, $0x1F;
	v16 =	vmov s11;
	v8 =	vmov s9;
	s9 =	sshrl.u32 s9, $0x1F;
	v4 =	vadd.f32 v7, v4  }
0x7a: {  	v53 =	vnsel vm3, $0x0, v16;
	v11 =	vmov s9;
	s9 =	sshra.s32 s20, $0x1F;
	v8 =	vsel vm0, s2, v8;
	s20 =	smul.u32 $0x55555556, s4;
	s2 =	sshrl.u32 s2, $0x1F;
	v7 =	vld.idx.msk [tilespmem:v12+s12+$0x0], $0xffff  }
0x7b: {  	s6 =	sadd.s32 s22, s25;
	s4 =	smul.u32 $0x55555556, s26;
	v6 =	vmov s14;
	s14 =	sshrl.u32 s14, $0x1F;
	v11 =	vsel vm0, s2, v11;
	v4 =	vadd.f32 v9, v4  }
0x7c: {  	s9 =	smul.u32 $0x55555556, s9;
	s23 =	spop (v2sf);
	v6 =	vsel vm0, s10, v6;
	s7 =	sadd.s32 s20, s7;
	v51 =	vmov s14;
	v10 =	vnsel vm3, $0x0, v13;
	v9 =	vld.idx.msk [tilespmem:v14+s12+$0x0], $0xffff  }
0x7d: {  	s26 =	sshrl.u32 s13, $0x1F;
	s20 =	sadd.s32 s4, s28;
	s24 =	smulhi.u32 $0x55555556, s23;
	v8 =	vsel vm1, s7, v8;
	v6 =	vsel vm1, s13, v6;
	v4 =	vadd.f32 v5, v4  }
0x7e: {  	s2 =	sshra.s32 s23, $0x1F;
	v13 =	vsel vm0, s21, v51;
	s8 =	sadd.s32 s9, s8;
	s7 =	sshrl.u32 s7, $0x1F;
	v10 =	vsel vm0, s20, v10;
	v8 =	vsel vm2, s3, v8;
	v5 =	vld.idx.msk [tilespmem:v15+s12+$0x0], $0xffff  }
0x7f: {  	s10 =	sshrl.u32 s6, $0x1F;
	s2 =	smul.u32 $0x55555556, s2;
	s4 =	sshrl.u32 s20, $0x1F;
	v6 =	vsel vm2, s8, v6;
	v11 =	vsel vm1, s7, v11;
	v4 =	vadd.f32 v7, v4  }
0x80: {  	s9 =	sshra.s32 s19, $0x1F;
	s13 =	sshra.s32 s18, $0x1F;
	v13 =	vsel vm1, s26, v13;
	s3 =	sshrl.u32 s3, $0x1F;
	v10 =	vsel vm1, s6, v10;
	v6 =	vcombine.low v6, v8;
	v7 =	vld.idx.msk [tilespmem:v52+s12+$0x0], $0xffff  }
0x81: {  	s8 =	sshrl.u32 s8, $0x1F;
	s11 =	smul.u32 $0x55555556, s9;
	v8 =	vsel vm0, s4, v53;
	s2 =	sadd.s32 s2, s24;
	v11 =	vsel vm2, s3, v11;
	v4 =	vadd.f32 v9, v4  }
0x82: {  	s18 =	sshra.s32 s16, $0x1F;
	s14 =	smul.u32 $0x55555556, s13;
	v56 =	vsel vm2, s8, v13;
	v10 =	vsel vm2, s2, v10;
	v8 =	vsel vm1, s10, v8;
	s2 =	sshrl.u32 s2, $0x1F;
	v9 =	vld.idx.msk [tilespmem:v54+s12+$0x0], $0xffff  }
0x83: {  	s19 =	smul.u32 $0x55555556, s18;
	s1 =	sadd.s32 s11, s1;
	v10 =	vsel vm4, s0, v10;
	v8 =	vsel vm2, s2, v8;
	s0 =	sshrl.u32 s0, $0x1F;
	v4 =	vadd.f32 v5, v4  }
0x84: {  	v11 =	vcombine.low v56, v11;
	s20 =	sadd.s32 s14, s17;
	v6 =	vperm.xlane v6, v0;
	s21 =	sshrl.u32 s1, $0x1F;
	v8 =	vsel vm4, s0, v8;
	v5 =	vld.idx.msk [tilespmem:v55+s12+$0x0], $0xffff  }
0x85: {  	s22 =	sadd.s32 s19, s15;
	s23 =	sshrl.u32 s20, $0x1F;
	v10 =	vsel vm5, s1, v10;
	v8 =	vsel vm5, s21, v8;
	v4 =	vadd.f32 v7, v4  }
0x86: {  	s24 =	sshrl.u32 s22, $0x1F;
	v11 =	vperm.xlane v11, v0;
	v10 =	vsel vm6, s20, v10;
	v8 =	vsel vm6, s23, v8;
	v7 =	vld.idx.msk [tilespmem:v57+s12+$0x0], $0xffff  }
0x87: {  	v10 =	vsel vm7, s22, v10;
	v8 =	vsel vm7, s24, v8;
	v4 =	vadd.f32 v9, v4  }
0x88: {  	v10 =	vperm.xlane v10, v1;
	v8 =	vperm.xlane v8, v1;
	v9 =	vld.idx.msk [tilespmem:v58+s12+$0x0], $0xffff  }
0x89: {  	v3 =	vadd.s32 $0xC8, v3;
	v5 =	vadd.f32 v5, v4  }
0x8a: {  	v61 =	vld.idx.msk [tilespmem:v59+s12+$0x0], $0xffff;
	v6 =	vsel vm8, v10, v6;
	v8 =	vsel vm8, v8, v11  }
0x8b: {  	v6 =	vadd.s32 v8, v6;
	v4 =	vadd.s32 $0x10, v2;
	v5 =	vadd.f32 v7, v5  }
0x8c: {  	v8 =	vmul.u32 $0xFFFFFFFD, v6;
	(v2sf) =	vpush v4, $0x7;
	v7 =	vld.idx.msk [tilespmem:v60+s12+$0x0], $0xffff  }
0x8d: {  	(v2sf) =	vpush v4, $0x6;
	v5 =	vadd.f32 v9, v5  }
0x8e: {  	s25 =	simm.s32 $0x1;
	v3 =	vld.idx.msk [tilespmem:v3+s12+$0x0], $0xffff;
	v6 =	vmul.u32 $0xD0, v6;
	v2 =	vadd.s32 v2, v8;
	(v2sf) =	vpush v4, $0xF  }
0x8f: {  	s0 =	smul.u32 $0xAB, s25;
	v8 =	vand.u32 $0xFFFFFFF8, v2;
	(v2sf) =	vpush v4, $0xB;
	v5 =	vadd.f32 v61, v5  }
0x90: {  	v2 =	vand.u32 $0x7, v2;
	v6 =	vadd.s32 v6, v8;
	(v2sf) =	vpush v4, $0x5  }
0x91: {  	s0 =	sshrl.u32 s0, $0x9;
	v2 =	vor.u32 v2, v6;
	(v2sf) =	vpush v4, $0xE;
	v5 =	vadd.f32 v7, v5  }
0x92: {  	s0 =	smul.u32 $0x3, s0  }
0x93: {  	(v2sf) =	vpush v4, $0xA;
	v3 =	vadd.f32 v3, v5  }
0x94: {  	s15 =	simm.s32 $0x1D400;
	s0 =	ssub.s32 $0x1, s0;
	(v2sf) =	vpush v4, $0x4;
	v5 =	vadd.s32 $0x8, v2  }
0x95: {  	s0 =	sand.u32 $0x5F, s0;
	(v2sf) =	vpush v4, $0xD;
	[tilespmem:s15+$0x0] =	vst v3  }
0x96: {  	s0 =	sshll.u32 s0, $0x4;
	(v2sf) =	vpush v4, $0x9;
	v3 =	vadd.s32 $0x10, v2;
	v6 =	vld.idx.msk [tilespmem:v2+s12+$0x0], $0xffff  }
0x97: {  	(v2sf) =	vpush v4, $0xC;
	v7 =	vld [tilespmem:s0+$0x1DA00]  }
0x98: {  	v8 =	vadd.s32 $0x18, v2  }
0x99: {  	v5 =	vld.idx.msk [tilespmem:v5+s12+$0x0], $0xffff;
	_ =	sdelay $0x1  }
0x9a: {  	s19 =	spop (v2sf);
	v3 =	vld.idx.msk [tilespmem:v3+s12+$0x0], $0xffff  }
0x9b: {  	v9 =	vadd.s32 $0x20, v2;
	s18 =	smulhi.u32 $0x55555556, s19;
	s20 =	spop (v2sf);
	v6 =	vadd.f32 v6, v7  }
0x9c: {  	v8 =	vld.idx.msk [tilespmem:v8+s12+$0x0], $0xffff;
	s21 =	smulhi.u32 $0x55555556, s20;
	s1 =	spop (v2sf)  }
0x9d: {  	s28 =	smulhi.u32 $0x55555556, s1;
	s30 =	spop (v2sf);
	v5 =	vadd.f32 v5, v6  }
0x9e: {  	v11 =	vadd.s32 $0x30, v2;
	s25 =	smulhi.u32 $0x55555556, s30;
	s23 =	spop (v2sf)  }
0x9f: {  	v63 =	vadd.s32 $0x38, v2;
	s26 =	smulhi.u32 $0x55555556, s23;
	s8 =	spop (v2sf);
	v3 =	vadd.f32 v3, v5  }
0xa0: {  	v62 =	vld.idx.msk [tilespmem:v9+s12+$0x0], $0xffff;
	v7 =	vadd.s32 $0x28, v2;
	s31 =	smulhi.u32 $0x55555556, s8  }
0xa1: {  	(v2sf) =	vpush v4, $0x8;
	s0 =	spop (v2sf);
	[dreg:$0x3] =	wrdreg s26;
	v3 =	vadd.f32 v8, v3  }
0xa2: {  	(v2sf) =	vpush v4, $0x2;
	s29 =	smulhi.u32 $0x55555556, s0;
	s26 =	spop (v2sf)  }
0xa3: {  	v6 =	vld.idx.msk [tilespmem:v11+s12+$0x0], $0xffff;
	s24 =	smulhi.u32 $0x55555556, s26;
	s2 =	spop (v2sf)  }
0xa4: {  	s17 =	simm.s32 $0x2;
	v10 =	vadd.s32 $0x40, v2;
	v9 =	vadd.s32 $0x48, v2;
	(v2sf) =	vpush v4, $0x1;
	v5 =	vld.idx.msk [tilespmem:v63+s12+$0x0], $0xffff;
	s3 =	smulhi.u32 $0x55555556, s2;
	s6 =	spop (v2sf)  }
0xa5: {  	s22 =	simm.s32 $0x3;
	(v2sf) =	vpush v4, $0x0;
	v7 =	vld.idx.msk [tilespmem:v7+s12+$0x0], $0xffff;
	v8 =	vadd.s32 $0x50, v2;
	v11 =	vadd.f32 v62, v3;
	s13 =	smulhi.u32 $0x55555556, s6;
	s9 =	spop (v2sf);
	v3 =	vmovc v4  }
.LBB2_4:
0xa6: {  	_ =	sdelay $0x6  }
0xa7: {  	v7 =	vadd.f32 v7, v11  }
0xa8: {  	s10 =	smulhi.u32 $0x55555556, s9;
	v10 =	vld.idx.msk [tilespmem:v10+s12+$0x0], $0xffff;
	s2 =	sshra.s32 s2, $0x1F;
	s9 =	sshra.s32 s9, $0x1F  }
0xa9: {  	s1 =	sshra.s32 s1, $0x1F;
	s30 =	sshra.s32 s30, $0x1F;
	s2 =	smul.u32 $0x55555556, s2;
	v11 =	vadd.s32 $0x58, v2;
	v6 =	vadd.f32 v6, v7  }
0xaa: {  	s6 =	sshra.s32 s6, $0x1F;
	s9 =	smul.u32 $0x55555556, s9;
	v7 =	vld.idx.msk [tilespmem:v9+s12+$0x0], $0xffff;
	s14 =	spop (v2sf)  }
0xab: {  	s8 =	sshra.s32 s8, $0x1F;
	s6 =	smul.u32 $0x55555556, s6;
	v9 =	vadd.s32 $0x60, v2;
	v5 =	vadd.f32 v5, v6;
	s11 =	spop (v2sf);
	(v2sf) =	vpush v4, $0x3  }
0xac: {  	s0 =	sshra.s32 s0, $0x1F;
	[dreg:$0x5] =	wrdreg s18;
	s8 =	smul.u32 $0x55555556, s8;
	v6 =	vld.idx.msk [tilespmem:v8+s12+$0x0], $0xffff  }
0xad: {  	s26 =	sshra.s32 s26, $0x1F;
	[dreg:$0x4] =	wrdreg s21;
	s0 =	smul.u32 $0x55555556, s0;
	v8 =	vadd.s32 $0x68, v2;
	v5 =	vadd.f32 v10, v5  }
0xae: {  	s21 =	smov.u32 s17;
	s1 =	smul.u32 $0x55555556, s1;
	s9 =	sadd.s32 s9, s10;
	v10 =	vld.idx.msk [tilespmem:v11+s12+$0x0], $0xffff  }
0xaf: {  	s2 =	sadd.s32 s2, s3;
	s6 =	sadd.s32 s6, s13;
	s13 =	smul.u32 $0x55555556, s30;
	v11 =	vadd.s32 $0x70, v2;
	v5 =	vadd.f32 v7, v5  }
0xb0: {  	v14 =	vadd.s32 $0x80, v2;
	v16 =	vadd.s32 $0x88, v2;
	s8 =	sadd.s32 s8, s31;
	s0 =	sadd.s32 s0, s29;
	s4 =	smulhi.u32 $0x55555556, s14;
	v7 =	vld.idx.msk [tilespmem:v9+s12+$0x0], $0xffff  }
0xb1: {  	v54 =	vadd.s32 $0x90, v2;
	s14 =	sshra.s32 s14, $0x1F;
	v9 =	vadd.s32 $0x78, v2;
	s5 =	smulhi.u32 $0x55555556, s11;
	s17 =	spop (v2sf);
	v5 =	vadd.f32 v6, v5  }
0xb2: {  	v56 =	vadd.s32 $0x98, v2;
	v57 =	vadd.s32 $0xA0, v2;
	v58 =	vadd.s32 $0xA8, v2;
	s1 =	sadd.s32 s1, s28;
	s14 =	smul.u32 $0x55555556, s14;
	s16 =	spop (v2sf);
	v6 =	vld.idx.msk [tilespmem:v8+s12+$0x0], $0xffff  }
0xb3: {  	v59 =	vadd.s32 $0xB0, v2;
	v12 =	vmov s9;
	s9 =	sshrl.u32 s9, $0x1F;
	s18 =	smulhi.u32 $0x55555556, s16;
	s16 =	sshra.s32 s16, $0x1F;
	v5 =	vadd.f32 v10, v5  }
0xb4: {  	v60 =	vadd.s32 $0xB8, v2;
	v61 =	vadd.s32 $0xC0, v2;
	s10 =	sshra.s32 s11, $0x1F;
	v8 =	vsel vm0, s2, v12;
	s4 =	sadd.s32 s14, s4;
	s16 =	smul.u32 $0x55555556, s16;
	v10 =	vld.idx.msk [tilespmem:v11+s12+$0x0], $0xffff  }
0xb5: {  	s7 =	smulhi.u32 $0x55555556, s17;
	s2 =	sshrl.u32 s2, $0x1F;
	v8 =	vsel vm1, s8, v8;
	s8 =	sshrl.u32 s8, $0x1F;
	v13 =	vmov s4;
	v5 =	vadd.f32 v7, v5  }
0xb6: {  	v15 =	vmov s9;
	s4 =	sshrl.u32 s4, $0x1F;
	v8 =	vsel vm2, s1, v8;
	s1 =	sshrl.u32 s1, $0x1F;
	v13 =	vsel vm0, s6, v13;
	s16 =	sadd.s32 s16, s18;
	v7 =	vld.idx.msk [tilespmem:v9+s12+$0x0], $0xffff  }
0xb7: {  	v53 =	vsel vm0, s2, v15;
	s18 =	sshra.s32 s17, $0x1F;
	v9 =	vsel vm1, s0, v13;
	s17 =	smul.u32 $0x55555556, s10;
	s0 =	sshrl.u32 s0, $0x1F;
	v5 =	vadd.f32 v6, v5  }
0xb8: {  	v2 =	vadd.s32 $0xC8, v2;
	v52 =	vmov s4;
	v13 =	vsel vm1, s8, v53;
	s8 =	sshra.s32 s23, $0x1F;
	s11 =	smul.u32 $0x55555556, s18;
	s3 =	sshrl.u32 s16, $0x1F;
	v6 =	vld.idx.msk [tilespmem:v14+s12+$0x0], $0xffff  }
0xb9: {  	v51 =	vmov s16;
	s16 =	sshrl.u32 s6, $0x1F;
	s6 =	smul.u32 $0x55555556, s26;
	v17 =	vmov s3;
	s3 =	sadd.s32 s13, s25;
	v5 =	vadd.f32 v10, v5  }
0xba: {  	v4 =	vadd.s32 $0x10, v4;
	v13 =	vsel vm2, s1, v13;
	v12 =	vsel vm0, s16, v52;
	s5 =	sadd.s32 s17, s5;
	s16 =	rddreg [dreg:$0x3];
	v10 =	vld.idx.msk [tilespmem:v16+s12+$0x0], $0xffff;
	s18 =	spop (v2sf)  }
0xbb: {  	v11 =	vnsel vm3, $0x0, v51;
	s14 =	sadd.s32 s11, s7;
	v55 =	vnsel vm3, $0x0, v17;
	v5 =	vadd.f32 v7, v5;
	s25 =	smulhi.u32 $0x55555556, s18;
	s2 =	sshra.s32 s18, $0x1F  }
0xbc: {  	v9 =	vsel vm2, s3, v9;
	v12 =	vsel vm1, s0, v12;
	s3 =	sshrl.u32 s3, $0x1F;
	s11 =	sshra.s32 s20, $0x1F;
	v11 =	vsel vm0, s14, v11;
	v7 =	vld.idx.msk [tilespmem:v54+s12+$0x0], $0xffff;
	s2 =	smul.u32 $0x55555556, s2  }
0xbd: {  	s9 =	sshrl.u32 s5, $0x1F;
	s4 =	sshrl.u32 s14, $0x1F;
	v8 =	vcombine.low v9, v8;
	v12 =	vsel vm2, s3, v12;
	s13 =	smul.u32 $0x55555556, s11;
	v5 =	vadd.f32 v6, v5  }
0xbe: {  	s10 =	sadd.s32 s6, s24;
	v11 =	vsel vm1, s5, v11;
	v9 =	vsel vm0, s4, v55;
	v12 =	vcombine.low v12, v13;
	v6 =	vld.idx.msk [tilespmem:v56+s12+$0x0], $0xffff;
	s7 =	sadd.s32 s2, s25;
	s2 =	smul.u32 $0x55555556, s8  }
0xbf: {  	s14 =	sshra.s32 s19, $0x1F;
	s17 =	sshrl.u32 s10, $0x1F;
	v9 =	vsel vm1, s9, v9;
	v8 =	vperm.xlane v8, v0;
	v5 =	vadd.f32 v10, v5;
	s0 =	sshrl.u32 s7, $0x1F  }
0xc0: {  	s4 =	smul.u32 $0x55555556, s14;
	v12 =	vperm.xlane v12, v0;
	v10 =	vld.idx.msk [tilespmem:v57+s12+$0x0], $0xffff;
	s18 =	rddreg [dreg:$0x4];
	v11 =	vsel vm2, s7, v11;
	s2 =	sadd.s32 s2, s16;
	v9 =	vsel vm2, s0, v9  }
0xc1: {  	s20 =	rddreg [dreg:$0x5];
	s1 =	sadd.s32 s13, s18;
	v5 =	vadd.f32 v7, v5;
	v11 =	vsel vm4, s10, v11;
	v9 =	vsel vm4, s17, v9;
	s19 =	sshrl.u32 s2, $0x1F  }
0xc2: {  	(v2sf) =	vpush v4, $0x7;
	s23 =	sshrl.u32 s1, $0x1F;
	v7 =	vld.idx.msk [tilespmem:v58+s12+$0x0], $0xffff;
	v11 =	vsel vm5, s2, v11;
	s2 =	sadd.s32 s4, s20;
	v9 =	vsel vm5, s19, v9  }
0xc3: {  	v5 =	vadd.f32 v6, v5;
	v11 =	vsel vm6, s1, v11;
	s24 =	sshrl.u32 s2, $0x1F;
	v9 =	vsel vm6, s23, v9  }
0xc4: {  	(v2sf) =	vpush v4, $0x6;
	v6 =	vld.idx.msk [tilespmem:v59+s12+$0x0], $0xffff;
	v11 =	vsel vm7, s2, v11;
	v9 =	vsel vm7, s24, v9  }
0xc5: {  	v5 =	vadd.f32 v10, v5;
	v11 =	vperm.xlane v11, v1;
	v9 =	vperm.xlane v9, v1  }
0xc6: {  	(v2sf) =	vpush v4, $0xF;
	v10 =	vld.idx.msk [tilespmem:v60+s12+$0x0], $0xffff  }
0xc7: {  	v5 =	vadd.f32 v7, v5;
	v8 =	vsel vm8, v11, v8;
	v9 =	vsel vm8, v9, v12  }
0xc8: {  	(v2sf) =	vpush v4, $0xB;
	v7 =	vld.idx.msk [tilespmem:v61+s12+$0x0], $0xffff;
	v8 =	vadd.s32 v9, v8  }
0xc9: {  	(v2sf) =	vpush v4, $0x5;
	v5 =	vadd.f32 v6, v5;
	v9 =	vmul.u32 $0xFFFFFFFD, v8  }
0xca: {  	s25 =	smul.u32 $0xAB, s21;
	(v2sf) =	vpush v4, $0xE;
	v6 =	vld.idx.msk [tilespmem:v2+s12+$0x0], $0xffff  }
0xcb: {  	v5 =	vadd.f32 v10, v5;
	v8 =	vmul.u32 $0xD0, v8;
	v2 =	vadd.s32 v3, v9  }
0xcc: {  	s0 =	sshrl.u32 s25, $0x9;
	(v2sf) =	vpush v4, $0xA;
	v9 =	vand.u32 $0xFFFFFFF8, v2  }
0xcd: {  	s0 =	smul.u32 $0x3, s0;
	v5 =	vadd.f32 v7, v5;
	v2 =	vand.u32 $0x7, v2;
	v8 =	vadd.s32 v8, v9  }
0xce: {  	(v2sf) =	vpush v4, $0x4;
	v2 =	vor.u32 v2, v8  }
0xcf: {  	(v2sf) =	vpush v4, $0xD;
	s0 =	ssub.s32 s21, s0;
	v5 =	vadd.f32 v6, v5  }
0xd0: {  	s15 =	sadd.s32 $0x10, s15;
	(v2sf) =	vpush v4, $0x9;
	s0 =	sand.u32 $0x5F, s0;
	v7 =	vadd.s32 $0x8, v2  }
0xd1: {  	(v2sf) =	vpush v4, $0xC;
	s0 =	sshll.u32 s0, $0x4;
	[tilespmem:s15+$0x0] =	vst v5  }
0xd2: {  	v8 =	vld [tilespmem:s0+$0x1DA00];
	v6 =	vadd.s32 $0x10, v2  }
0xd3: {  	v5 =	vld.idx.msk [tilespmem:v2+s12+$0x0], $0xffff  }
0xd4: {  	v9 =	vadd.s32 $0x18, v2  }
0xd5: {  	s19 =	spop (v2sf);
	v7 =	vld.idx.msk [tilespmem:v7+s12+$0x0], $0xffff  }
0xd6: {  	s18 =	smulhi.u32 $0x55555556, s19;
	s20 =	spop (v2sf);
	v10 =	vadd.s32 $0x20, v2  }
0xd7: {  	s21 =	smulhi.u32 $0x55555556, s20;
	s1 =	spop (v2sf);
	v6 =	vld.idx.msk [tilespmem:v6+s12+$0x0], $0xffff  }
0xd8: {  	s28 =	smulhi.u32 $0x55555556, s1;
	s30 =	spop (v2sf);
	v5 =	vadd.f32 v5, v8  }
0xd9: {  	s25 =	smulhi.u32 $0x55555556, s30;
	s23 =	spop (v2sf);
	v11 =	vadd.s32 $0x28, v2;
	v8 =	vld.idx.msk [tilespmem:v9+s12+$0x0], $0xffff  }
0xda: {  	s26 =	smulhi.u32 $0x55555556, s23;
	s8 =	spop (v2sf);
	v9 =	vadd.s32 $0x30, v2;
	v5 =	vadd.f32 v7, v5  }
0xdb: {  	p0 =	sne.s32 s22, $0x5F;
	v63 =	vadd.s32 $0x38, v2;
	s31 =	smulhi.u32 $0x55555556, s8;
	s0 =	spop (v2sf);
	v62 =	vld.idx.msk [tilespmem:v10+s12+$0x0], $0xffff  }
.Ltmp1:
0xdc: {  	(v2sf) =	vpush v4, $0x8;
	[dreg:$0x3] =	wrdreg s26;
	v5 =	vadd.f32 v6, v5;
	(pc) =	sbr.rel @p0 .LBB2_4-.Ltmp1, $4  }
0xdd: {  	(v2sf) =	vpush v4, $0x2;
	s29 =	smulhi.u32 $0x55555556, s0;
	s26 =	spop (v2sf)  }
0xde: {  	(v2sf) =	vpush v4, $0x1;
	s24 =	smulhi.u32 $0x55555556, s26;
	s2 =	spop (v2sf);
	v7 =	vld.idx.msk [tilespmem:v11+s12+$0x0], $0xffff;
	v5 =	vadd.f32 v8, v5  }
0xdf: {  	s17 =	smov.u32 s22;
	(v2sf) =	vpush v4, $0x0;
	s3 =	smulhi.u32 $0x55555556, s2;
	s6 =	spop (v2sf);
	v10 =	vadd.s32 $0x40, v2;
	v6 =	vld.idx.msk [tilespmem:v9+s12+$0x0], $0xffff  }
0xe0: {  	s22 =	sadd.s32 $0x1, s22;
	v3 =	vmovc v4;
	s13 =	smulhi.u32 $0x55555556, s6;
	s9 =	spop (v2sf);
	v9 =	vadd.s32 $0x48, v2;
	v8 =	vadd.s32 $0x50, v2;
	v11 =	vadd.f32 v62, v5;
	v5 =	vld.idx.msk [tilespmem:v63+s12+$0x0], $0xffff  }
0xe1: {  	_ =	sdelay $0x5  }
0xe2: {  	v7 =	vadd.f32 v7, v11  }
0xe3: {  	s4 =	smulhi.u32 $0x55555556, s9;
	s2 =	sshra.s32 s2, $0x1F;
	v10 =	vld.idx.msk [tilespmem:v10+s12+$0x0], $0xffff  }
0xe4: {  	s16 =	sshra.s32 s9, $0x1F;
	v33 =	vadd.s32 $0x58, v2;
	s2 =	smul.u32 $0x55555556, s2;
	v6 =	vadd.f32 v6, v7  }
0xe5: {  	v34 =	vld.idx.msk [tilespmem:v9+s12+$0x0], $0xffff;
	s8 =	sshra.s32 s8, $0x1F;
	s9 =	smul.u32 $0x55555556, s16  }
0xe6: {  	v35 =	vadd.s32 $0x60, v2;
	s0 =	sshra.s32 s0, $0x1F;
	s8 =	smul.u32 $0x55555556, s8;
	v5 =	vadd.f32 v5, v6;
	s7 =	spop (v2sf);
	(v2sf) =	vpush v4, $0x3  }
0xe7: {  	v36 =	vld.idx.msk [tilespmem:v8+s12+$0x0], $0xffff;
	s1 =	sshra.s32 s1, $0x1F;
	s0 =	smul.u32 $0x55555556, s0  }
0xe8: {  	v37 =	vadd.s32 $0x68, v2;
	s6 =	sshra.s32 s6, $0x1F;
	s19 =	sshra.s32 s19, $0x1F;
	s1 =	smul.u32 $0x55555556, s1;
	v5 =	vadd.f32 v10, v5  }
0xe9: {  	v4 =	vld.idx.msk [tilespmem:v33+s12+$0x0], $0xffff;
	s5 =	spop (v2sf);
	s10 =	smulhi.u32 $0x55555556, s7;
	s7 =	sshra.s32 s7, $0x1F  }
0xea: {  	v38 =	vadd.s32 $0x70, v2;
	s4 =	sadd.s32 s9, s4;
	v5 =	vadd.f32 v34, v5;
	s11 =	spop (v2sf);
	s7 =	smul.u32 $0x55555556, s7  }
0xeb: {  	s2 =	sadd.s32 s2, s3;
	v39 =	vld.idx.msk [tilespmem:v35+s12+$0x0], $0xffff;
	s14 =	spop (v2sf);
	s9 =	smulhi.u32 $0x55555556, s11  }
0xec: {  	v40 =	vadd.s32 $0x78, v2;
	s0 =	sadd.s32 s0, s29;
	v5 =	vadd.f32 v36, v5;
	s16 =	smulhi.u32 $0x55555556, s14;
	s14 =	sshra.s32 s14, $0x1F  }
0xed: {  	v14 =	vadd.s32 $0x80, v2;
	v16 =	vadd.s32 $0x88, v2;
	v46 =	vadd.s32 $0x90, v2;
	s1 =	sadd.s32 s1, s28;
	v8 =	vld.idx.msk [tilespmem:v37+s12+$0x0], $0xffff;
	s7 =	sadd.s32 s7, s10;
	s22 =	smul.u32 $0x55555556, s14  }
0xee: {  	s28 =	sshra.s32 s30, $0x1F;
	v41 =	vmov s4;
	s14 =	smul.u32 $0x55555556, s6;
	v12 =	vmov s7;
	s7 =	sshrl.u32 s7, $0x1F;
	v4 =	vadd.f32 v4, v5  }
0xef: {  	v50 =	vadd.s32 $0x98, v2;
	v6 =	vsel vm0, s2, v41;
	s2 =	sshrl.u32 s2, $0x1F;
	v10 =	vld.idx.msk [tilespmem:v38+s12+$0x0], $0xffff;
	v43 =	vmov s7;
	s7 =	smul.u32 $0x55555556, s28;
	s6 =	sadd.s32 s22, s16  }
0xf0: {  	v53 =	vadd.s32 $0xA0, v2;
	v56 =	vadd.s32 $0xA8, v2;
	s3 =	sadd.s32 s14, s13;
	s16 =	sshra.s32 s11, $0x1F;
	s22 =	sshrl.u32 s4, $0x1F;
	v4 =	vadd.f32 v39, v4  }
0xf1: {  	v58 =	vadd.s32 $0xB0, v2;
	v60 =	vadd.s32 $0xB8, v2;
	v62 =	vadd.s32 $0xC0, v2;
	v9 =	vld.idx.msk [tilespmem:v40+s12+$0x0], $0xffff;
	s13 =	sadd.s32 s8, s31;
	s31 =	sshra.s32 s26, $0x1F;
	s14 =	smul.u32 $0x55555556, s16  }
0xf2: {  	v42 =	vmov s22;
	v13 =	vmov s6;
	s6 =	sshrl.u32 s6, $0x1F;
	s22 =	smulhi.u32 $0x55555556, s5;
	s5 =	sshra.s32 s5, $0x1F;
	v4 =	vadd.f32 v8, v4  }
0xf3: {  	v2 =	vadd.s32 $0xC8, v2;
	v48 =	vld.idx.msk [tilespmem:v14+s12+$0x0], $0xffff;
	v44 =	vsel vm0, s3, v12;
	v6 =	vsel vm1, s13, v6;
	s3 =	sshrl.u32 s3, $0x1F;
	s4 =	sshrl.u32 s13, $0x1F;
	s8 =	smul.u32 $0x55555556, s31  }
0xf4: {  	s7 =	sadd.s32 s7, s25;
	s13 =	sshra.s32 s20, $0x1F;
	v15 =	vmov s6;
	v11 =	vsel vm0, s2, v42;
	s5 =	smul.u32 $0x55555556, s5;
	v4 =	vadd.f32 v10, v4  }
0xf5: {  	v52 =	vld.idx.msk [tilespmem:v16+s12+$0x0], $0xffff;
	v45 =	vnsel vm3, $0x0, v13;
	v7 =	vsel vm1, s0, v44;
	s0 =	sshrl.u32 s0, $0x1F;
	v6 =	vsel vm2, s1, v6;
	s1 =	sshrl.u32 s1, $0x1F;
	s29 =	spop (v2sf)  }
0xf6: {  	v5 =	vsel vm0, s3, v43;
	s11 =	sshrl.u32 s7, $0x1F;
	v11 =	vsel vm1, s4, v11;
	v4 =	vadd.f32 v9, v4;
	s30 =	smulhi.u32 $0x55555556, s29;
	s3 =	sshra.s32 s29, $0x1F  }
0xf7: {  	v55 =	vld.idx.msk [tilespmem:v46+s12+$0x0], $0xffff;
	s16 =	sadd.s32 s14, s9;
	v49 =	vnsel vm3, $0x0, v15;
	v5 =	vsel vm1, s0, v5;
	s9 =	sshra.s32 s23, $0x1F;
	v7 =	vsel vm2, s7, v7;
	s3 =	smul.u32 $0x55555556, s3  }
0xf8: {  	s0 =	sadd.s32 s8, s24;
	v47 =	vsel vm0, s16, v45;
	s6 =	sshrl.u32 s16, $0x1F;
	s2 =	sadd.s32 s5, s22;
	v54 =	vsel vm2, s1, v11;
	v4 =	vadd.f32 v48, v4  }
0xf9: {  	v57 =	vld.idx.msk [tilespmem:v50+s12+$0x0], $0xffff;
	s10 =	smul.u32 $0x55555556, s9;
	v5 =	vsel vm2, s11, v5;
	v51 =	vsel vm0, s6, v49;
	v8 =	vsel vm1, s2, v47;
	s2 =	sshrl.u32 s2, $0x1F;
	s3 =	sadd.s32 s3, s30  }
0xfa: {  	s14 =	rddreg [dreg:$0x3];
	s16 =	smul.u32 $0x55555556, s13;
	v10 =	vsel vm1, s2, v51;
	v4 =	vadd.f32 v52, v4;
	v8 =	vsel vm2, s3, v8;
	s3 =	sshrl.u32 s3, $0x1F  }
0xfb: {  	v59 =	vld.idx.msk [tilespmem:v53+s12+$0x0], $0xffff;
	s23 =	smul.u32 $0x55555556, s19;
	v6 =	vcombine.low v7, v6;
	s1 =	sadd.s32 s10, s14;
	v10 =	vsel vm2, s3, v10;
	v8 =	vsel vm4, s0, v8;
	s0 =	sshrl.u32 s0, $0x1F  }
0xfc: {  	s22 =	sadd.s32 s16, s21;
	s20 =	sshrl.u32 s1, $0x1F;
	v4 =	vadd.f32 v55, v4;
	v10 =	vsel vm4, s0, v10;
	v8 =	vsel vm5, s1, v8  }
0xfd: {  	v61 =	vld.idx.msk [tilespmem:v56+s12+$0x0], $0xffff;
	v5 =	vcombine.low v5, v54;
	s1 =	sshrl.u32 s22, $0x1F;
	s0 =	sadd.s32 s23, s18;
	v10 =	vsel vm5, s20, v10;
	v8 =	vsel vm6, s22, v8  }
0xfe: {  	v4 =	vadd.f32 v57, v4;
	v10 =	vsel vm6, s1, v10;
	v8 =	vsel vm7, s0, v8;
	s0 =	sshrl.u32 s0, $0x1F  }
0xff: {  	v63 =	vld.idx.msk [tilespmem:v58+s12+$0x0], $0xffff;
	v6 =	vperm.xlane v6, v0;
	v5 =	vperm.xlane v5, v0;
	v10 =	vsel vm7, s0, v10  }
0x100: {  	v4 =	vadd.f32 v59, v4;
	v8 =	vperm.xlane v8, v1;
	v10 =	vperm.xlane v10, v1  }
0x101: {  	v14 =	vld.idx.msk [tilespmem:v60+s12+$0x0], $0xffff  }
0x102: {  	v4 =	vadd.f32 v61, v4;
	v6 =	vsel vm8, v8, v6;
	v5 =	vsel vm8, v10, v5  }
0x103: {  	v15 =	vld.idx.msk [tilespmem:v62+s12+$0x0], $0xffff;
	v5 =	vadd.s32 v5, v6  }
0x104: {  	v4 =	vadd.f32 v63, v4;
	v16 =	vmul.u32 $0xFFFFFFFD, v5  }
0x105: {  	v2 =	vld.idx.msk [tilespmem:v2+s12+$0x0], $0xffff;
	s24 =	smul.u32 $0xAB, s17  }
0x106: {  	v4 =	vadd.f32 v14, v4;
	v5 =	vmul.u32 $0xD0, v5;
	v3 =	vadd.s32 v3, v16  }
0x107: {  	s0 =	sshrl.u32 s24, $0x9;
	v17 =	vand.u32 $0xFFFFFFF8, v3  }
0x108: {  	s0 =	smul.u32 $0x3, s0;
	v4 =	vadd.f32 v15, v4;
	v3 =	vand.u32 $0x7, v3;
	v5 =	vadd.s32 v5, v17  }
0x109: {  	v3 =	vor.u32 v3, v5  }
0x10a: {  	s25 =	ssub.s32 s17, s0;
	v2 =	vadd.f32 v2, v4  }
0x10b: {  	s26 =	sadd.s32 $0x10, s15;
	s1 =	sand.u32 $0x5F, s25;
	v18 =	vadd.s32 $0x8, v3  }
0x10c: {  	s1 =	sshll.u32 s1, $0x4;
	[tilespmem:s26+$0x0] =	vst v2  }
0x10d: {  	v2 =	vld [tilespmem:s1+$0x1DA00];
	v5 =	vadd.s32 $0x10, v3  }
0x10e: {  	v19 =	vld.idx.msk [tilespmem:v3+s12+$0x0], $0xffff  }
0x10f: {  	v20 =	vadd.s32 $0x18, v3  }
0x110: {  	v4 =	vld.idx.msk [tilespmem:v18+s12+$0x0], $0xffff  }
0x111: {  	v21 =	vadd.s32 $0x20, v3  }
0x112: {  	v5 =	vld.idx.msk [tilespmem:v5+s12+$0x0], $0xffff  }
0x113: {  	v22 =	vadd.s32 $0x28, v3;
	v2 =	vadd.f32 v19, v2  }
0x114: {  	v23 =	vld.idx.msk [tilespmem:v20+s12+$0x0], $0xffff  }
0x115: {  	v24 =	vadd.s32 $0x30, v3;
	v2 =	vadd.f32 v4, v2  }
0x116: {  	v25 =	vld.idx.msk [tilespmem:v21+s12+$0x0], $0xffff  }
0x117: {  	v26 =	vadd.s32 $0x38, v3;
	v2 =	vadd.f32 v5, v2  }
0x118: {  	v27 =	vld.idx.msk [tilespmem:v22+s12+$0x0], $0xffff  }
0x119: {  	v28 =	vadd.s32 $0x40, v3;
	v2 =	vadd.f32 v23, v2  }
0x11a: {  	v29 =	vld.idx.msk [tilespmem:v24+s12+$0x0], $0xffff  }
0x11b: {  	v30 =	vadd.s32 $0x48, v3;
	v2 =	vadd.f32 v25, v2  }
0x11c: {  	v31 =	vld.idx.msk [tilespmem:v26+s12+$0x0], $0xffff  }
0x11d: {  	v32 =	vadd.s32 $0x50, v3;
	v2 =	vadd.f32 v27, v2  }
0x11e: {  	v33 =	vld.idx.msk [tilespmem:v28+s12+$0x0], $0xffff  }
0x11f: {  	v34 =	vadd.s32 $0x58, v3;
	v2 =	vadd.f32 v29, v2  }
0x120: {  	v35 =	vld.idx.msk [tilespmem:v30+s12+$0x0], $0xffff  }
0x121: {  	v36 =	vadd.s32 $0x60, v3;
	v2 =	vadd.f32 v31, v2  }
0x122: {  	v37 =	vld.idx.msk [tilespmem:v32+s12+$0x0], $0xffff  }
0x123: {  	v38 =	vadd.s32 $0x68, v3;
	v2 =	vadd.f32 v33, v2  }
0x124: {  	v39 =	vld.idx.msk [tilespmem:v34+s12+$0x0], $0xffff  }
0x125: {  	v40 =	vadd.s32 $0x70, v3;
	v2 =	vadd.f32 v35, v2  }
0x126: {  	v41 =	vld.idx.msk [tilespmem:v36+s12+$0x0], $0xffff  }
0x127: {  	v42 =	vadd.s32 $0x78, v3;
	v2 =	vadd.f32 v37, v2  }
0x128: {  	v43 =	vld.idx.msk [tilespmem:v38+s12+$0x0], $0xffff  }
0x129: {  	v44 =	vadd.s32 $0x80, v3;
	v2 =	vadd.f32 v39, v2  }
0x12a: {  	v45 =	vld.idx.msk [tilespmem:v40+s12+$0x0], $0xffff  }
0x12b: {  	v46 =	vadd.s32 $0x88, v3;
	v2 =	vadd.f32 v41, v2  }
0x12c: {  	v47 =	vld.idx.msk [tilespmem:v42+s12+$0x0], $0xffff  }
0x12d: {  	v48 =	vadd.s32 $0x90, v3;
	v2 =	vadd.f32 v43, v2  }
0x12e: {  	v49 =	vld.idx.msk [tilespmem:v44+s12+$0x0], $0xffff  }
0x12f: {  	v50 =	vadd.s32 $0x98, v3;
	v2 =	vadd.f32 v45, v2  }
0x130: {  	v51 =	vld.idx.msk [tilespmem:v46+s12+$0x0], $0xffff  }
0x131: {  	v52 =	vadd.s32 $0xA0, v3;
	v2 =	vadd.f32 v47, v2  }
0x132: {  	v53 =	vld.idx.msk [tilespmem:v48+s12+$0x0], $0xffff  }
0x133: {  	v54 =	vadd.s32 $0xA8, v3;
	v2 =	vadd.f32 v49, v2  }
0x134: {  	v55 =	vld.idx.msk [tilespmem:v50+s12+$0x0], $0xffff  }
0x135: {  	v56 =	vadd.s32 $0xB0, v3;
	v2 =	vadd.f32 v51, v2  }
0x136: {  	v57 =	vld.idx.msk [tilespmem:v52+s12+$0x0], $0xffff  }
0x137: {  	v58 =	vadd.s32 $0xB8, v3;
	v2 =	vadd.f32 v53, v2  }
0x138: {  	v59 =	vld.idx.msk [tilespmem:v54+s12+$0x0], $0xffff  }
0x139: {  	v60 =	vadd.s32 $0xC0, v3;
	v2 =	vadd.f32 v55, v2  }
0x13a: {  	v61 =	vld.idx.msk [tilespmem:v56+s12+$0x0], $0xffff  }
0x13b: {  	v3 =	vadd.s32 $0xC8, v3;
	v2 =	vadd.f32 v57, v2  }
0x13c: {  	v62 =	vld.idx.msk [tilespmem:v58+s12+$0x0], $0xffff  }
0x13d: {  	v2 =	vadd.f32 v59, v2  }
0x13e: {  	v63 =	vld.idx.msk [tilespmem:v60+s12+$0x0], $0xffff  }
0x13f: {  	v2 =	vadd.f32 v61, v2  }
0x140: {  	v3 =	vld.idx.msk [tilespmem:v3+s12+$0x0], $0xffff  }
0x141: {  	v2 =	vadd.f32 v62, v2;
	_ =	sdelay $0x1  }
0x142: {  	v2 =	vadd.f32 v63, v2;
	_ =	sdelay $0x1  }
0x143: {  	v2 =	vadd.f32 v3, v2  }
0x144: {  	s28 =	rddreg [dreg:$0x9];
	s0 =	sadd.s32 $0x10, s26  }
0x145: {  	s7 =	simm.s32 $0x0;
	s2 =	simm.s32 $0x2;
	s29 =	simm.s32 $0x1D400;
	[tilespmem:s0+$0x0] =	vst v2  }
0x146: {  	[hbm4b:s28+s7] =	stream.linear.scatter [tilespmem:s29], [sflag:$0x2], $0x600, $0x38;
	[tilespmem:$0x1DA30] =	vst v63  }
0x147: {  	_ =	swait.ge [sflag:s2], $0x600  }
0x148: {  	s30 =	rddreg [dreg:$0xb]  }
0x149: {  	s31 =	rddreg [dreg:$0xa];
	s1 =	sadd.s32 $0x1, s30  }
0x14a: {  	p0 =	sne.s32 s1, s31  }
.Ltmp2:
0x14b: {  	_ = 	snop;
	(pc) =	sbr.rel @p0 .LBB2_1-.Ltmp2, $3  }
0x14c: {  	_ =	sdelay $0x1  }
0x14d: {  	s5 =	simm.s32 $0x1;
	[sflag:s2] =	ssyncset.done $0x0  }
0x14e: {  	s3 =	simm.s32 $0x80;
	s4 =	rddreg [dreg:$0x7];
	[sflag:s2] =	ssyncadd.s32 $0xFFFFFA00  }
0x14f: {  	_ =	sfence.sel $0x180000  }
0x150: {  	[bflag:$0x0] =	sbarrier.arrive $0xFFFF  }
0x151: {  	_ =	strace $0x90000047  }
0x152: {  	s0 =	stileid.u32;
	[bflag:$0x2] =	sbarrier.arrive $0xFFFF  }
0x153: {  	p0 =	sne.s32 s0, $0x0;
	s0 =	rddreg [dreg:$0x2]  }
0x154: {  	s0 =	sadd.s32 @!p0 $0x100000, s0  }
0x155: {  	[sflag:s0] =	ssyncadd.tile.s32 @!p0 $0x1;
	_ =	shalt  }
.Lfunc_end2:
_tile_overlayer_lowered:
.L_overlay_start_2:
0x156: {  	(tag) =	ssettag $0x2  }
0x157: {  	s0 =	rddreg [dreg:$0x0];
	s2 =	stileid.u32  }
0x158: {  	s1 =	rddreg [dreg:$0x1];
	p0 =	sne.s32 s2, $0x0  }
0x159: {  	s3 =	rddreg [dreg:$0x2];
	[bflag:$0x3] =	sbarrier.arrive $0xFFFF;
	s2 =	simm.s32 @!p0 $0x1C02  }
0x15a: {  	[timem:s3], [sflag:s2] =	dma.local @!p0 [hbm:s0], s1  }
0x15b: {  	s0 =	simm.s32 @!p0 $0x2  }
0x15c: {  	_ =	swait.ge @!p0 [sflag:s0], s1  }
0x15d: {  	s1 =	ssub.s32 @!p0 $0x0, s1;
	[sflag:s0] =	ssyncset.done @!p0 $0x0  }
0x15e: {  	[sflag:s0] =	ssyncadd.s32 @!p0 s1  }
0x15f: {  	[bflag:$0x3] =	sbarrier.arrive $0xFFFF  }
0x160: {  	_ =	shalt  }

</sc_bundles>
